<compile_context>
chip_gen: v7x
topology: tpu7x:2x2x1
jax: 0.10.2.dev20260603
libtpu: 0.0.44.dev20260713+nightly
codegen_flags: <defaults>
</compile_context>

<pallas_src>
import functools

import jax
import jax.numpy as jnp
from jax import lax
from jax.experimental import pallas as pl
from jax.experimental.pallas import tpu as pltpu
from jax.experimental.pallas import tpu_sc as plsc

N = 10000
E = 320000
D_IN = 128
D_H = 128
C = 64

NC = 2
NS = 16
NW = NC * NS
EPT = E // NW
KD = 40
NCHUNK_D = EPT // KD
KA = 80
NCHUNK_A = EPT // KA
NP = 10240
ROWS_PT = NP // NS

_SC_MESH = plsc.VectorSubcoreMesh(core_axis_name="c", subcore_axis_name="s",
                                  num_cores=NC, num_subcores=NS)



@functools.partial(
    pl.kernel,
    out_type=jax.ShapeDtypeStruct((NC, 2, NP), jnp.float32),
    mesh=_SC_MESH,
    scratch_types=[
        pltpu.VMEM((NCHUNK_D, KD), jnp.int32),
        pltpu.VMEM((NCHUNK_D, KD), jnp.int32),
        pltpu.VMEM((KD,), jnp.float32),
        pltpu.SemaphoreType.DMA,
        pltpu.SemaphoreType.DMA,
        pltpu.VMEM_SHARED((NP,), jnp.float32),
        pltpu.VMEM_SHARED((NP,), jnp.float32),
    ],
)
def _sc_degrees(src_hbm, dst_hbm, ones_hbm, zeros_hbm, out_hbm,
                sidx, didx, ones_v, sem_s, sem_d, acc_s, acc_d):
    c = lax.axis_index("c")
    s = lax.axis_index("s")
    wid = c * NS + s
    r0 = s * ROWS_PT
    pltpu.sync_copy(zeros_hbm.at[pl.ds(r0, ROWS_PT)], acc_s.at[pl.ds(r0, ROWS_PT)])
    pltpu.sync_copy(zeros_hbm.at[pl.ds(r0, ROWS_PT)], acc_d.at[pl.ds(r0, ROWS_PT)])
    pltpu.sync_copy(ones_hbm, ones_v)
    pltpu.sync_copy(src_hbm.at[wid], sidx)
    pltpu.sync_copy(dst_hbm.at[wid], didx)
    plsc.subcore_barrier()

    grp = 10

    def body(g, carry):
        c0 = g * grp
        for j in range(grp):
            pltpu.async_copy(ones_v, acc_s.at[sidx.at[c0 + j]], sem_s, add=True)
            pltpu.async_copy(ones_v, acc_d.at[didx.at[c0 + j]], sem_d, add=True)
        for j in range(grp):
            pltpu.make_async_copy(ones_v, acc_s.at[sidx.at[c0 + j]], sem_s).wait()
            pltpu.make_async_copy(ones_v, acc_d.at[didx.at[c0 + j]], sem_d).wait()
        return carry

    lax.fori_loop(0, NCHUNK_D // grp, body, 0)
    plsc.subcore_barrier()
    pltpu.sync_copy(acc_s.at[pl.ds(r0, ROWS_PT)], out_hbm.at[c, 0, pl.ds(r0, ROWS_PT)])
    pltpu.sync_copy(acc_d.at[pl.ds(r0, ROWS_PT)], out_hbm.at[c, 1, pl.ds(r0, ROWS_PT)])




@functools.partial(
    pl.kernel,
    out_type=jax.ShapeDtypeStruct((NC, NP, D_H), jnp.float32),
    mesh=_SC_MESH,
    scratch_types=[
        pltpu.VMEM((KA,), jnp.int32),
        pltpu.VMEM((KA,), jnp.int32),
        pltpu.VMEM((KA, D_H), jnp.float32),
        pltpu.SemaphoreType.DMA,
        pltpu.VMEM_SHARED((NP, D_H), jnp.float32),
    ],
)
def _sc_aggregate(h_hbm, src_hbm, dst_hbm, zeros_hbm, out_hbm,
                  sidx, didx, rows, sem, acc):
    c = lax.axis_index("c")
    s = lax.axis_index("s")
    wid = c * NS + s
    r0 = s * ROWS_PT
    pltpu.sync_copy(zeros_hbm.at[pl.ds(r0, ROWS_PT)], acc.at[pl.ds(r0, ROWS_PT)])
    plsc.subcore_barrier()

    base = wid * EPT

    def body(i, carry):
        off = base + i * KA
        pltpu.sync_copy(src_hbm.at[pl.ds(off, KA)], sidx)
        pltpu.sync_copy(dst_hbm.at[pl.ds(off, KA)], didx)
        pltpu.async_copy(h_hbm.at[sidx], rows, sem).wait()
        pltpu.sync_copy(rows, acc.at[didx], add=True)
        return carry

    lax.fori_loop(0, NCHUNK_A, body, 0)
    plsc.subcore_barrier()
    pltpu.sync_copy(acc.at[pl.ds(r0, ROWS_PT)], out_hbm.at[c, pl.ds(r0, ROWS_PT)])



BLK = 1000
NBLK = N // BLK


def _norm_cols(d):
    return jnp.where(d > 0, lax.rsqrt(d), 0.0)


def _mm1_body(x_ref, w_ref, o_ref):
    o_ref[...] = jnp.dot(x_ref[...], w_ref[...],
                         preferred_element_type=jnp.float32)


def _scale_body(degs_ref, xw_ref, o_ref):
    ns = _norm_cols(degs_ref[0, 0] + degs_ref[1, 0])
    o_ref[...] = xw_ref[...] * ns


def _mm2_body(degs_ref, p_ref, b1_ref, o_ref):
    ns = _norm_cols(degs_ref[0, 0] + degs_ref[1, 0])
    nd = _norm_cols(degs_ref[0, 1] + degs_ref[1, 1])
    a = p_ref[0] + p_ref[1]
    h = jnp.maximum(a * nd + b1_ref[...], 0.0)
    o_ref[...] = h * ns


def _out_body(degs_ref, p_ref, w_ref, b2_ref, o_ref):
    nd = _norm_cols(degs_ref[0, 1] + degs_ref[1, 1])
    a = (p_ref[0] + p_ref[1]) * nd
    o = jnp.dot(a, w_ref[...], preferred_element_type=jnp.float32) + b2_ref[...]
    m = jnp.max(o, axis=1, keepdims=True)
    e = jnp.exp(o - m)
    o_ref[...] = e / jnp.sum(e, axis=1, keepdims=True)


_DEG_SPEC = pl.BlockSpec((NC, 2, BLK, 1), lambda i: (0, 0, i, 0))


def _tc_mm1(x, w1):
    return pl.pallas_call(
        _mm1_body,
        grid=(NBLK,),
        in_specs=[pl.BlockSpec((BLK, D_IN), lambda i: (i, 0)),
                  pl.BlockSpec((D_IN, D_H), lambda i: (0, 0))],
        out_specs=pl.BlockSpec((BLK, D_H), lambda i: (i, 0)),
        out_shape=jax.ShapeDtypeStruct((N, D_H), jnp.float32),
    )(x, w1)


def _tc_scale(degs, xw):
    return pl.pallas_call(
        _scale_body,
        grid=(NBLK,),
        in_specs=[_DEG_SPEC,
                  pl.BlockSpec((BLK, D_H), lambda i: (i, 0))],
        out_specs=pl.BlockSpec((BLK, D_H), lambda i: (i, 0)),
        out_shape=jax.ShapeDtypeStruct((N, D_H), jnp.float32),
    )(degs, xw)


def _tc_mm2(degs, p1, b1):
    return pl.pallas_call(
        _mm2_body,
        grid=(NBLK,),
        in_specs=[_DEG_SPEC,
                  pl.BlockSpec((NC, BLK, D_H), lambda i: (0, i, 0)),
                  pl.BlockSpec((1, D_H), lambda i: (0, 0))],
        out_specs=pl.BlockSpec((BLK, D_H), lambda i: (i, 0)),
        out_shape=jax.ShapeDtypeStruct((N, D_H), jnp.float32),
    )(degs, p1, b1)


def _tc_out(degs, p2, w2, b2):
    return pl.pallas_call(
        _out_body,
        grid=(NBLK,),
        in_specs=[_DEG_SPEC,
                  pl.BlockSpec((NC, BLK, D_H), lambda i: (0, i, 0)),
                  pl.BlockSpec((D_H, C), lambda i: (0, 0)),
                  pl.BlockSpec((1, C), lambda i: (0, 0))],
        out_specs=pl.BlockSpec((BLK, C), lambda i: (i, 0)),
        out_shape=jax.ShapeDtypeStruct((N, C), jnp.float32),
    )(degs, p2, w2, b2)




def kernel(x, edge_index, W1, b1, W2, b2):
    src = edge_index[0]
    dst = edge_index[1]
    src2 = src.reshape(NW, NCHUNK_D, KD)
    dst2 = dst.reshape(NW, NCHUNK_D, KD)

    ones1 = jnp.ones((KD,), jnp.float32)
    zeros1 = jnp.zeros((NP,), jnp.float32)
    zeros128 = jnp.zeros((NP, D_H), jnp.float32)

    xw = _tc_mm1(x, W1)
    degs = _sc_degrees(src2, dst2, ones1, zeros1)
    degs = degs.reshape(NC, 2, NP, 1)
    h1 = _tc_scale(degs, xw)
    p1 = _sc_aggregate(h1, src, dst, zeros128)
    h2 = _tc_mm2(degs, p1, b1.reshape(1, D_H))
    p2 = _sc_aggregate(h2, src, dst, zeros128)
    return _tc_out(degs, p2, W2, b2.reshape(1, C))

# --- scband reference (transcript-rebuilt; emitter-appended) ---
"""Pipeline reference for scband-gcn-79542794322476 (READ-ONLY COPY).

The authoritative reference and input builder live on the scoring server;
editing this copy changes nothing except your own understanding.
"""

import jax, jax.numpy as jnp
import numpy as np

N = 10000
E = 320000
D_IN = 128
D_H = 128
C = 64


def setup_inputs(seed: int = 0) -> dict:
    key = jax.random.key(seed)
    k1, k2, k3, k4, k5, k6 = jax.random.split(key, 6)
    x = jax.random.normal(k1, (N, D_IN), dtype=jnp.float32)
    edge_index = jax.random.randint(k2, (2, E), 0, N, dtype=jnp.int32)
    # GraphConv weights (glorot-style init) and biases
    W1 = jax.random.normal(k3, (D_IN, D_H), dtype=jnp.float32) * (1.0 / np.sqrt(D_IN))
    b1 = jnp.zeros((D_H,), dtype=jnp.float32)
    W2 = jax.random.normal(k4, (D_H, C), dtype=jnp.float32) * (1.0 / np.sqrt(D_H))
    b2 = jnp.zeros((C,), dtype=jnp.float32)
    return {"x": x, "edge_index": edge_index, "W1": W1, "b1": b1, "W2": W2, "b2": b2}


def reference(x, edge_index, W1, b1, W2, b2):
    # DGL GraphConv with norm='both':
    #   out = D_in^{-1/2} * A^T * (D_out^{-1/2} * X W) + b
    src = edge_index[0]
    dst = edge_index[1]
    n_edges = src.shape[0]
    ones = jnp.ones((n_edges,), dtype=jnp.float32)
    deg_out = jax.ops.segment_sum(ones, src, num_segments=N)
    deg_in = jax.ops.segment_sum(ones, dst, num_segments=N)
    norm_s = jnp.where(deg_out > 0, deg_out ** -0.5, 0.0)
    norm_d = jnp.where(deg_in > 0, deg_in ** -0.5, 0.0)

    def conv(h, W, b):
        h = h * norm_s[:, None]
        h = h @ W
        msg = h[src]                                   # gather over src nodes
        agg = jax.ops.segment_sum(msg, dst, num_segments=N)  # scatter-add to dst
        return agg * norm_d[:, None] + b

    h = jax.nn.relu(conv(x, W1, b1))
    out = conv(h, W2, b2)
    return jax.nn.softmax(out, axis=1)

if __name__ == "__main__":
    import jax
    _d = setup_inputs()
    print(jax.jit(kernel)(*tuple(_d.values())))

</pallas_src>

<mosaic_0001>
#map = affine_map<(d0, d1) -> (0, 0)>
#map1 = affine_map<(d0, d1) -> (0)>
#map2 = affine_map<(d0, d1) -> (0, 0, 0)>
module attributes {stable_mosaic.version = 14 : i64} {
  func.func @_sc_aggregate(%arg0: i32, %arg1: i32, %arg2: memref<10000x128xf32, #tpu.memory_space<hbm>>, %arg3: memref<320000xi32, #tpu.memory_space<hbm>>, %arg4: memref<320000xi32, #tpu.memory_space<hbm>>, %arg5: memref<10240x128xf32, #tpu.memory_space<hbm>>, %arg6: memref<2x10240x128xf32, #tpu.memory_space<hbm>>, %arg7: memref<80xi32, #tpu.memory_space<vmem>>, %arg8: memref<80xi32, #tpu.memory_space<vmem>>, %arg9: memref<80x128xf32, #tpu.memory_space<vmem>>, %arg10: memref<!tpu.dma_semaphore, #tpu.memory_space<semaphore_mem>>, %arg11: memref<10240x128xf32, #tpu.memory_space<vmem_shared>>) attributes {dimension_semantics = [#tpu.dimension_semantics<core_parallel>, #tpu.dimension_semantics<subcore_parallel>], iteration_bounds = array<i64: 2, 16>, scalar_prefetch = 0 : i64, scratch_operands = 5 : i64, tpu.core_type = #tpu.core_type<sc_vector_subcore>, window_params = [{transform_indices = #map}, {transform_indices = #map1}, {transform_indices = #map1}, {transform_indices = #map}, {transform_indices = #map2}]} {
    %mul3A = arith.constant 16 : i32
    %mul3A_0 = arith.muli %arg0, %mul3A : i32
    %add3A = arith.addi %mul3A_0, %arg1 : i32
    %mul3A_1 = arith.constant 640 : i32
    %mul3A_2 = arith.muli %arg1, %mul3A_1 : i32
    "tpu.region"() ({
      %run_scoped3A = tpu.sem_alloc : memref<!tpu.dma_semaphore, #tpu.memory_space<semaphore_mem>>
      %dma_start3A = arith.constant 0 : i32
      %dma_start3A_11 = tpu.memref_slice %arg11[%mul3A_2, %dma_start3A] : memref<10240x128xf32, #tpu.memory_space<vmem_shared>> -> memref<640x128xf32, #tpu.memory_space<vmem_shared>>
      %dma_start3A_12 = arith.constant 0 : i32
      %dma_start3A_13 = tpu.memref_slice %arg5[%mul3A_2, %dma_start3A_12] : memref<10240x128xf32, #tpu.memory_space<hbm>> -> memref<640x128xf32, #tpu.memory_space<hbm>>
      tpu.enqueue_dma source(%dma_start3A_13 : memref<640x128xf32, #tpu.memory_space<hbm>>) target(%dma_start3A_11 : memref<640x128xf32, #tpu.memory_space<vmem_shared>>) target_semaphore(%run_scoped3A : memref<!tpu.dma_semaphore, #tpu.memory_space<semaphore_mem>>)
      %dma_wait3A = arith.constant 0 : i32
      %dma_wait3A_14 = tpu.memref_slice %arg11[%mul3A_2, %dma_wait3A] : memref<10240x128xf32, #tpu.memory_space<vmem_shared>> -> memref<640x128xf32, #tpu.memory_space<vmem_shared>>
      %dma_wait3A_15 = arith.constant 0 : i32
      %dma_wait3A_16 = tpu.memref_slice %arg5[%mul3A_2, %dma_wait3A_15] : memref<10240x128xf32, #tpu.memory_space<hbm>> -> memref<640x128xf32, #tpu.memory_space<hbm>>
      tpu.wait_dma2 semaphore(%run_scoped3A : memref<!tpu.dma_semaphore, #tpu.memory_space<semaphore_mem>>) src(%dma_wait3A_16 : memref<640x128xf32, #tpu.memory_space<hbm>>) dst(%dma_wait3A_14 : memref<640x128xf32, #tpu.memory_space<vmem_shared>>)
      tpu.yield
    }) : () -> ()
    %barrier3A = arith.constant 0 : index
    tpu.barrier barrier_id(%barrier3A)
    %mul3A_3 = arith.constant 10000 : i32
    %mul3A_4 = arith.muli %add3A, %mul3A_3 : i32
    %scan3A = arith.constant 0 : i32
    %scan3A_5 = arith.constant 0 : i32
    %scan3A_6 = arith.constant 125 : i32
    %scan3A_7 = arith.addi %scan3A_5, %scan3A_6 : i32
    %scan3A_8 = arith.constant 1 : i32
    scf.for %scan3A_11 = %scan3A_5 to %scan3A_7 step %scan3A_8  : i32 {
      %mul3A_12 = arith.constant 80 : i32
      %mul3A_13 = arith.muli %scan3A_11, %mul3A_12 : i32
      %add3A_14 = arith.addi %mul3A_4, %mul3A_13 : i32
      "tpu.region"() ({
        %run_scoped3A = tpu.sem_alloc : memref<!tpu.dma_semaphore, #tpu.memory_space<semaphore_mem>>
        %dma_start3A_19 = tpu.memref_slice %arg3[%add3A_14] : memref<320000xi32, #tpu.memory_space<hbm>> -> memref<80xi32, #tpu.memory_space<hbm>>
        %dma_start3A_20 = tpu.memref_slice %arg3[%add3A_14] : memref<320000xi32, #tpu.memory_space<hbm>> -> memref<80xi32, #tpu.memory_space<hbm>>
        tpu.enqueue_dma source(%dma_start3A_20 : memref<80xi32, #tpu.memory_space<hbm>>) target(%arg7 : memref<80xi32, #tpu.memory_space<vmem>>) target_semaphore(%run_scoped3A : memref<!tpu.dma_semaphore, #tpu.memory_space<semaphore_mem>>)
        %dma_wait3A_21 = tpu.memref_slice %arg3[%add3A_14] : memref<320000xi32, #tpu.memory_space<hbm>> -> memref<80xi32, #tpu.memory_space<hbm>>
        %dma_wait3A_22 = tpu.memref_slice %arg3[%add3A_14] : memref<320000xi32, #tpu.memory_space<hbm>> -> memref<80xi32, #tpu.memory_space<hbm>>
        tpu.wait_dma2 semaphore(%run_scoped3A : memref<!tpu.dma_semaphore, #tpu.memory_space<semaphore_mem>>) src(%dma_wait3A_22 : memref<80xi32, #tpu.memory_space<hbm>>) dst(%arg7 : memref<80xi32, #tpu.memory_space<vmem>>)
        tpu.yield
      }) : () -> ()
      "tpu.region"() ({
        %run_scoped3A = tpu.sem_alloc : memref<!tpu.dma_semaphore, #tpu.memory_space<semaphore_mem>>
        %dma_start3A_19 = tpu.memref_slice %arg4[%add3A_14] : memref<320000xi32, #tpu.memory_space<hbm>> -> memref<80xi32, #tpu.memory_space<hbm>>
        %dma_start3A_20 = tpu.memref_slice %arg4[%add3A_14] : memref<320000xi32, #tpu.memory_space<hbm>> -> memref<80xi32, #tpu.memory_space<hbm>>
        tpu.enqueue_dma source(%dma_start3A_20 : memref<80xi32, #tpu.memory_space<hbm>>) target(%arg8 : memref<80xi32, #tpu.memory_space<vmem>>) target_semaphore(%run_scoped3A : memref<!tpu.dma_semaphore, #tpu.memory_space<semaphore_mem>>)
        %dma_wait3A_21 = tpu.memref_slice %arg4[%add3A_14] : memref<320000xi32, #tpu.memory_space<hbm>> -> memref<80xi32, #tpu.memory_space<hbm>>
        %dma_wait3A_22 = tpu.memref_slice %arg4[%add3A_14] : memref<320000xi32, #tpu.memory_space<hbm>> -> memref<80xi32, #tpu.memory_space<hbm>>
        tpu.wait_dma2 semaphore(%run_scoped3A : memref<!tpu.dma_semaphore, #tpu.memory_space<semaphore_mem>>) src(%dma_wait3A_22 : memref<80xi32, #tpu.memory_space<hbm>>) dst(%arg8 : memref<80xi32, #tpu.memory_space<vmem>>)
        tpu.yield
      }) : () -> ()
      %dma_start3A = arith.constant 0 : i32
      %dma_start3A_15 = arith.constant 0 : i32
      %dma_start3A_16 = tpu.memref_slice %arg2[%dma_start3A, %dma_start3A_15] : memref<10000x128xf32, #tpu.memory_space<hbm>> -> memref<10000x128xf32, #tpu.memory_space<hbm>>
      tpu.enqueue_indirect_dma source(%dma_start3A_16 : memref<10000x128xf32, #tpu.memory_space<hbm>>) target(%arg9 : memref<80x128xf32, #tpu.memory_space<vmem>>) offsets(%arg7 : memref<80xi32, #tpu.memory_space<vmem>>) semaphore(%arg10 : memref<!tpu.dma_semaphore, #tpu.memory_space<semaphore_mem>>)
      %dma_wait3A = arith.constant 0 : i32
      %dma_wait3A_17 = arith.constant 0 : i32
      %dma_wait3A_18 = tpu.memref_slice %arg2[%dma_wait3A, %dma_wait3A_17] : memref<10000x128xf32, #tpu.memory_space<hbm>> -> memref<10000x128xf32, #tpu.memory_space<hbm>>
      tpu.wait_indirect_dma semaphore(%arg10 : memref<!tpu.dma_semaphore, #tpu.memory_space<semaphore_mem>>) src(%dma_wait3A_18 : memref<10000x128xf32, #tpu.memory_space<hbm>>) dst(%arg9 : memref<80x128xf32, #tpu.memory_space<vmem>>)
      "tpu.region"() ({
        %run_scoped3A = tpu.sem_alloc : memref<!tpu.dma_semaphore, #tpu.memory_space<semaphore_mem>>
        %dma_start3A_19 = arith.constant 0 : i32
        %dma_start3A_20 = arith.constant 0 : i32
        %dma_start3A_21 = tpu.memref_slice %arg11[%dma_start3A_19, %dma_start3A_20] : memref<10240x128xf32, #tpu.memory_space<vmem_shared>> -> memref<10240x128xf32, #tpu.memory_space<vmem_shared>>
        tpu.enqueue_indirect_dma source(%arg9 : memref<80x128xf32, #tpu.memory_space<vmem>>) target(%dma_start3A_21 : memref<10240x128xf32, #tpu.memory_space<vmem_shared>>) offsets(%arg8 : memref<80xi32, #tpu.memory_space<vmem>>) semaphore(%run_scoped3A : memref<!tpu.dma_semaphore, #tpu.memory_space<semaphore_mem>>) {add = true}
        %dma_wait3A_22 = arith.constant 0 : i32
        %dma_wait3A_23 = arith.constant 0 : i32
        %dma_wait3A_24 = tpu.memref_slice %arg11[%dma_wait3A_22, %dma_wait3A_23] : memref<10240x128xf32, #tpu.memory_space<vmem_shared>> -> memref<10240x128xf32, #tpu.memory_space<vmem_shared>>
        tpu.wait_indirect_dma semaphore(%run_scoped3A : memref<!tpu.dma_semaphore, #tpu.memory_space<semaphore_mem>>) src(%arg9 : memref<80x128xf32, #tpu.memory_space<vmem>>) dst(%dma_wait3A_24 : memref<10240x128xf32, #tpu.memory_space<vmem_shared>>)
        tpu.yield
      }) : () -> ()
    }
    %scan3A_9 = arith.constant 125 : i32
    %barrier3A_10 = arith.constant 0 : index
    tpu.barrier barrier_id(%barrier3A_10)
    "tpu.region"() ({
      %run_scoped3A = tpu.sem_alloc : memref<!tpu.dma_semaphore, #tpu.memory_space<semaphore_mem>>
      %dma_start3A = arith.constant 0 : i32
      %dma_start3A_11 = tpu.memref_slice %arg6[%arg0, %mul3A_2, %dma_start3A] : memref<2x10240x128xf32, #tpu.memory_space<hbm>> -> memref<1x640x128xf32, #tpu.memory_space<hbm>>
      %dma_start3A_12 = tpu.memref_squeeze %dma_start3A_11 : memref<1x640x128xf32, #tpu.memory_space<hbm>> -> memref<640x128xf32, #tpu.memory_space<hbm>>
      %dma_start3A_13 = arith.constant 0 : i32
      %dma_start3A_14 = tpu.memref_slice %arg11[%mul3A_2, %dma_start3A_13] : memref<10240x128xf32, #tpu.memory_space<vmem_shared>> -> memref<640x128xf32, #tpu.memory_space<vmem_shared>>
      tpu.enqueue_dma source(%dma_start3A_14 : memref<640x128xf32, #tpu.memory_space<vmem_shared>>) target(%dma_start3A_12 : memref<640x128xf32, #tpu.memory_space<hbm>>) target_semaphore(%run_scoped3A : memref<!tpu.dma_semaphore, #tpu.memory_space<semaphore_mem>>)
      %dma_wait3A = arith.constant 0 : i32
      %dma_wait3A_15 = tpu.memref_slice %arg6[%arg0, %mul3A_2, %dma_wait3A] : memref<2x10240x128xf32, #tpu.memory_space<hbm>> -> memref<1x640x128xf32, #tpu.memory_space<hbm>>
      %dma_wait3A_16 = tpu.memref_squeeze %dma_wait3A_15 : memref<1x640x128xf32, #tpu.memory_space<hbm>> -> memref<640x128xf32, #tpu.memory_space<hbm>>
      %dma_wait3A_17 = arith.constant 0 : i32
      %dma_wait3A_18 = tpu.memref_slice %arg11[%mul3A_2, %dma_wait3A_17] : memref<10240x128xf32, #tpu.memory_space<vmem_shared>> -> memref<640x128xf32, #tpu.memory_space<vmem_shared>>
      tpu.wait_dma2 semaphore(%run_scoped3A : memref<!tpu.dma_semaphore, #tpu.memory_space<semaphore_mem>>) src(%dma_wait3A_18 : memref<640x128xf32, #tpu.memory_space<vmem_shared>>) dst(%dma_wait3A_16 : memref<640x128xf32, #tpu.memory_space<hbm>>)
      tpu.yield
    }) : () -> ()
    return
  }
}

#map = affine_map<(d0, d1) -> (0, 0)>
#map1 = affine_map<(d0, d1) -> (0)>
#map2 = affine_map<(d0, d1) -> (0, 0, 0)>
module attributes {stable_mosaic.version = 14 : i64} {
  func.func @_sc_aggregate(%arg0: i32, %arg1: i32, %arg2: memref<10000x128xf32, #tpu.memory_space<hbm>>, %arg3: memref<320000xi32, #tpu.memory_space<hbm>>, %arg4: memref<320000xi32, #tpu.memory_space<hbm>>, %arg5: memref<10240x128xf32, #tpu.memory_space<hbm>>, %arg6: memref<2x10240x128xf32, #tpu.memory_space<hbm>>, %arg7: memref<80xi32, #tpu.memory_space<vmem>>, %arg8: memref<80xi32, #tpu.memory_space<vmem>>, %arg9: memref<80x128xf32, #tpu.memory_space<vmem>>, %arg10: memref<!tpu.dma_semaphore, #tpu.memory_space<semaphore_mem>>, %arg11: memref<10240x128xf32, #tpu.memory_space<vmem_shared>>) attributes {dimension_semantics = [#tpu.dimension_semantics<core_parallel>, #tpu.dimension_semantics<subcore_parallel>], iteration_bounds = array<i64: 2, 16>, scalar_prefetch = 0 : i64, scratch_operands = 5 : i64, tpu.core_type = #tpu.core_type<sc_vector_subcore>, window_params = [{transform_indices = #map}, {transform_indices = #map1}, {transform_indices = #map1}, {transform_indices = #map}, {transform_indices = #map2}]} {
    %mul3A = arith.constant 16 : i32
    %mul3A_0 = arith.muli %arg0, %mul3A : i32
    %add3A = arith.addi %mul3A_0, %arg1 : i32
    %mul3A_1 = arith.constant 640 : i32
    %mul3A_2 = arith.muli %arg1, %mul3A_1 : i32
    "tpu.region"() ({
      %run_scoped3A = tpu.sem_alloc : memref<!tpu.dma_semaphore, #tpu.memory_space<semaphore_mem>>
      %dma_start3A = arith.constant 0 : i32
      %dma_start3A_11 = tpu.memref_slice %arg11[%mul3A_2, %dma_start3A] : memref<10240x128xf32, #tpu.memory_space<vmem_shared>> -> memref<640x128xf32, #tpu.memory_space<vmem_shared>>
      %dma_start3A_12 = arith.constant 0 : i32
      %dma_start3A_13 = tpu.memref_slice %arg5[%mul3A_2, %dma_start3A_12] : memref<10240x128xf32, #tpu.memory_space<hbm>> -> memref<640x128xf32, #tpu.memory_space<hbm>>
      tpu.enqueue_dma source(%dma_start3A_13 : memref<640x128xf32, #tpu.memory_space<hbm>>) target(%dma_start3A_11 : memref<640x128xf32, #tpu.memory_space<vmem_shared>>) target_semaphore(%run_scoped3A : memref<!tpu.dma_semaphore, #tpu.memory_space<semaphore_mem>>)
      %dma_wait3A = arith.constant 0 : i32
      %dma_wait3A_14 = tpu.memref_slice %arg11[%mul3A_2, %dma_wait3A] : memref<10240x128xf32, #tpu.memory_space<vmem_shared>> -> memref<640x128xf32, #tpu.memory_space<vmem_shared>>
      %dma_wait3A_15 = arith.constant 0 : i32
      %dma_wait3A_16 = tpu.memref_slice %arg5[%mul3A_2, %dma_wait3A_15] : memref<10240x128xf32, #tpu.memory_space<hbm>> -> memref<640x128xf32, #tpu.memory_space<hbm>>
      tpu.wait_dma2 semaphore(%run_scoped3A : memref<!tpu.dma_semaphore, #tpu.memory_space<semaphore_mem>>) src(%dma_wait3A_16 : memref<640x128xf32, #tpu.memory_space<hbm>>) dst(%dma_wait3A_14 : memref<640x128xf32, #tpu.memory_space<vmem_shared>>)
      tpu.yield
    }) : () -> ()
    %barrier3A = arith.constant 0 : index
    tpu.barrier barrier_id(%barrier3A)
    %mul3A_3 = arith.constant 10000 : i32
    %mul3A_4 = arith.muli %add3A, %mul3A_3 : i32
    %scan3A = arith.constant 0 : i32
    %scan3A_5 = arith.constant 0 : i32
    %scan3A_6 = arith.constant 125 : i32
    %scan3A_7 = arith.addi %scan3A_5, %scan3A_6 : i32
    %scan3A_8 = arith.constant 1 : i32
    scf.for %scan3A_11 = %scan3A_5 to %scan3A_7 step %scan3A_8  : i32 {
      %mul3A_12 = arith.constant 80 : i32
      %mul3A_13 = arith.muli %scan3A_11, %mul3A_12 : i32
      %add3A_14 = arith.addi %mul3A_4, %mul3A_13 : i32
      "tpu.region"() ({
        %run_scoped3A = tpu.sem_alloc : memref<!tpu.dma_semaphore, #tpu.memory_space<semaphore_mem>>
        %dma_start3A_19 = tpu.memref_slice %arg3[%add3A_14] : memref<320000xi32, #tpu.memory_space<hbm>> -> memref<80xi32, #tpu.memory_space<hbm>>
        %dma_start3A_20 = tpu.memref_slice %arg3[%add3A_14] : memref<320000xi32, #tpu.memory_space<hbm>> -> memref<80xi32, #tpu.memory_space<hbm>>
        tpu.enqueue_dma source(%dma_start3A_20 : memref<80xi32, #tpu.memory_space<hbm>>) target(%arg7 : memref<80xi32, #tpu.memory_space<vmem>>) target_semaphore(%run_scoped3A : memref<!tpu.dma_semaphore, #tpu.memory_space<semaphore_mem>>)
        %dma_wait3A_21 = tpu.memref_slice %arg3[%add3A_14] : memref<320000xi32, #tpu.memory_space<hbm>> -> memref<80xi32, #tpu.memory_space<hbm>>
        %dma_wait3A_22 = tpu.memref_slice %arg3[%add3A_14] : memref<320000xi32, #tpu.memory_space<hbm>> -> memref<80xi32, #tpu.memory_space<hbm>>
        tpu.wait_dma2 semaphore(%run_scoped3A : memref<!tpu.dma_semaphore, #tpu.memory_space<semaphore_mem>>) src(%dma_wait3A_22 : memref<80xi32, #tpu.memory_space<hbm>>) dst(%arg7 : memref<80xi32, #tpu.memory_space<vmem>>)
        tpu.yield
      }) : () -> ()
      "tpu.region"() ({
        %run_scoped3A = tpu.sem_alloc : memref<!tpu.dma_semaphore, #tpu.memory_space<semaphore_mem>>
        %dma_start3A_19 = tpu.memref_slice %arg4[%add3A_14] : memref<320000xi32, #tpu.memory_space<hbm>> -> memref<80xi32, #tpu.memory_space<hbm>>
        %dma_start3A_20 = tpu.memref_slice %arg4[%add3A_14] : memref<320000xi32, #tpu.memory_space<hbm>> -> memref<80xi32, #tpu.memory_space<hbm>>
        tpu.enqueue_dma source(%dma_start3A_20 : memref<80xi32, #tpu.memory_space<hbm>>) target(%arg8 : memref<80xi32, #tpu.memory_space<vmem>>) target_semaphore(%run_scoped3A : memref<!tpu.dma_semaphore, #tpu.memory_space<semaphore_mem>>)
        %dma_wait3A_21 = tpu.memref_slice %arg4[%add3A_14] : memref<320000xi32, #tpu.memory_space<hbm>> -> memref<80xi32, #tpu.memory_space<hbm>>
        %dma_wait3A_22 = tpu.memref_slice %arg4[%add3A_14] : memref<320000xi32, #tpu.memory_space<hbm>> -> memref<80xi32, #tpu.memory_space<hbm>>
        tpu.wait_dma2 semaphore(%run_scoped3A : memref<!tpu.dma_semaphore, #tpu.memory_space<semaphore_mem>>) src(%dma_wait3A_22 : memref<80xi32, #tpu.memory_space<hbm>>) dst(%arg8 : memref<80xi32, #tpu.memory_space<vmem>>)
        tpu.yield
      }) : () -> ()
      %dma_start3A = arith.constant 0 : i32
      %dma_start3A_15 = arith.constant 0 : i32
      %dma_start3A_16 = tpu.memref_slice %arg2[%dma_start3A, %dma_start3A_15] : memref<10000x128xf32, #tpu.memory_space<hbm>> -> memref<10000x128xf32, #tpu.memory_space<hbm>>
      tpu.enqueue_indirect_dma source(%dma_start3A_16 : memref<10000x128xf32, #tpu.memory_space<hbm>>) target(%arg9 : memref<80x128xf32, #tpu.memory_space<vmem>>) offsets(%arg7 : memref<80xi32, #tpu.memory_space<vmem>>) semaphore(%arg10 : memref<!tpu.dma_semaphore, #tpu.memory_space<semaphore_mem>>)
      %dma_wait3A = arith.constant 0 : i32
      %dma_wait3A_17 = arith.constant 0 : i32
      %dma_wait3A_18 = tpu.memref_slice %arg2[%dma_wait3A, %dma_wait3A_17] : memref<10000x128xf32, #tpu.memory_space<hbm>> -> memref<10000x128xf32, #tpu.memory_space<hbm>>
      tpu.wait_indirect_dma semaphore(%arg10 : memref<!tpu.dma_semaphore, #tpu.memory_space<semaphore_mem>>) src(%dma_wait3A_18 : memref<10000x128xf32, #tpu.memory_space<hbm>>) dst(%arg9 : memref<80x128xf32, #tpu.memory_space<vmem>>)
      "tpu.region"() ({
        %run_scoped3A = tpu.sem_alloc : memref<!tpu.dma_semaphore, #tpu.memory_space<semaphore_mem>>
        %dma_start3A_19 = arith.constant 0 : i32
        %dma_start3A_20 = arith.constant 0 : i32
        %dma_start3A_21 = tpu.memref_slice %arg11[%dma_start3A_19, %dma_start3A_20] : memref<10240x128xf32, #tpu.memory_space<vmem_shared>> -> memref<10240x128xf32, #tpu.memory_space<vmem_shared>>
        tpu.enqueue_indirect_dma source(%arg9 : memref<80x128xf32, #tpu.memory_space<vmem>>) target(%dma_start3A_21 : memref<10240x128xf32, #tpu.memory_space<vmem_shared>>) offsets(%arg8 : memref<80xi32, #tpu.memory_space<vmem>>) semaphore(%run_scoped3A : memref<!tpu.dma_semaphore, #tpu.memory_space<semaphore_mem>>) {add = true}
        %dma_wait3A_22 = arith.constant 0 : i32
        %dma_wait3A_23 = arith.constant 0 : i32
        %dma_wait3A_24 = tpu.memref_slice %arg11[%dma_wait3A_22, %dma_wait3A_23] : memref<10240x128xf32, #tpu.memory_space<vmem_shared>> -> memref<10240x128xf32, #tpu.memory_space<vmem_shared>>
        tpu.wait_indirect_dma semaphore(%run_scoped3A : memref<!tpu.dma_semaphore, #tpu.memory_space<semaphore_mem>>) src(%arg9 : memref<80x128xf32, #tpu.memory_space<vmem>>) dst(%dma_wait3A_24 : memref<10240x128xf32, #tpu.memory_space<vmem_shared>>)
        tpu.yield
      }) : () -> ()
    }
    %scan3A_9 = arith.constant 125 : i32
    %barrier3A_10 = arith.constant 0 : index
    tpu.barrier barrier_id(%barrier3A_10)
    "tpu.region"() ({
      %run_scoped3A = tpu.sem_alloc : memref<!tpu.dma_semaphore, #tpu.memory_space<semaphore_mem>>
      %dma_start3A = arith.constant 0 : i32
      %dma_start3A_11 = tpu.memref_slice %arg6[%arg0, %mul3A_2, %dma_start3A] : memref<2x10240x128xf32, #tpu.memory_space<hbm>> -> memref<1x640x128xf32, #tpu.memory_space<hbm>>
      %dma_start3A_12 = tpu.memref_squeeze %dma_start3A_11 : memref<1x640x128xf32, #tpu.memory_space<hbm>> -> memref<640x128xf32, #tpu.memory_space<hbm>>
      %dma_start3A_13 = arith.constant 0 : i32
      %dma_start3A_14 = tpu.memref_slice %arg11[%mul3A_2, %dma_start3A_13] : memref<10240x128xf32, #tpu.memory_space<vmem_shared>> -> memref<640x128xf32, #tpu.memory_space<vmem_shared>>
      tpu.enqueue_dma source(%dma_start3A_14 : memref<640x128xf32, #tpu.memory_space<vmem_shared>>) target(%dma_start3A_12 : memref<640x128xf32, #tpu.memory_space<hbm>>) target_semaphore(%run_scoped3A : memref<!tpu.dma_semaphore, #tpu.memory_space<semaphore_mem>>)
      %dma_wait3A = arith.constant 0 : i32
      %dma_wait3A_15 = tpu.memref_slice %arg6[%arg0, %mul3A_2, %dma_wait3A] : memref<2x10240x128xf32, #tpu.memory_space<hbm>> -> memref<1x640x128xf32, #tpu.memory_space<hbm>>
      %dma_wait3A_16 = tpu.memref_squeeze %dma_wait3A_15 : memref<1x640x128xf32, #tpu.memory_space<hbm>> -> memref<640x128xf32, #tpu.memory_space<hbm>>
      %dma_wait3A_17 = arith.constant 0 : i32
      %dma_wait3A_18 = tpu.memref_slice %arg11[%mul3A_2, %dma_wait3A_17] : memref<10240x128xf32, #tpu.memory_space<vmem_shared>> -> memref<640x128xf32, #tpu.memory_space<vmem_shared>>
      tpu.wait_dma2 semaphore(%run_scoped3A : memref<!tpu.dma_semaphore, #tpu.memory_space<semaphore_mem>>) src(%dma_wait3A_18 : memref<640x128xf32, #tpu.memory_space<vmem_shared>>) dst(%dma_wait3A_16 : memref<640x128xf32, #tpu.memory_space<hbm>>)
      tpu.yield
    }) : () -> ()
    return
  }
}

#map = affine_map<(d0, d1) -> (0, 0, 0)>
#map1 = affine_map<(d0, d1) -> (0)>
module attributes {stable_mosaic.version = 14 : i64} {
  func.func @_sc_degrees(%arg0: i32, %arg1: i32, %arg2: memref<32x250x40xi32, #tpu.memory_space<hbm>>, %arg3: memref<32x250x40xi32, #tpu.memory_space<hbm>>, %arg4: memref<40xf32, #tpu.memory_space<hbm>>, %arg5: memref<10240xf32, #tpu.memory_space<hbm>>, %arg6: memref<2x2x10240xf32, #tpu.memory_space<hbm>>, %arg7: memref<250x40xi32, #tpu.memory_space<vmem>>, %arg8: memref<250x40xi32, #tpu.memory_space<vmem>>, %arg9: memref<40xf32, #tpu.memory_space<vmem>>, %arg10: memref<!tpu.dma_semaphore, #tpu.memory_space<semaphore_mem>>, %arg11: memref<!tpu.dma_semaphore, #tpu.memory_space<semaphore_mem>>, %arg12: memref<10240xf32, #tpu.memory_space<vmem_shared>>, %arg13: memref<10240xf32, #tpu.memory_space<vmem_shared>>) attributes {dimension_semantics = [#tpu.dimension_semantics<core_parallel>, #tpu.dimension_semantics<subcore_parallel>], iteration_bounds = array<i64: 2, 16>, scalar_prefetch = 0 : i64, scratch_operands = 7 : i64, tpu.core_type = #tpu.core_type<sc_vector_subcore>, window_params = [{transform_indices = #map}, {transform_indices = #map}, {transform_indices = #map1}, {transform_indices = #map1}, {transform_indices = #map}]} {
    %mul3A = arith.constant 16 : i32
    %mul3A_0 = arith.muli %arg0, %mul3A : i32
    %add3A = arith.addi %mul3A_0, %arg1 : i32
    %mul3A_1 = arith.constant 640 : i32
    %mul3A_2 = arith.muli %arg1, %mul3A_1 : i32
    "tpu.region"() ({
      %run_scoped3A_10 = tpu.sem_alloc : memref<!tpu.dma_semaphore, #tpu.memory_space<semaphore_mem>>
      %dma_start3A = tpu.memref_slice %arg12[%mul3A_2] : memref<10240xf32, #tpu.memory_space<vmem_shared>> -> memref<640xf32, #tpu.memory_space<vmem_shared>>
      %dma_start3A_11 = tpu.memref_slice %arg5[%mul3A_2] : memref<10240xf32, #tpu.memory_space<hbm>> -> memref<640xf32, #tpu.memory_space<hbm>>
      tpu.enqueue_dma source(%dma_start3A_11 : memref<640xf32, #tpu.memory_space<hbm>>) target(%dma_start3A : memref<640xf32, #tpu.memory_space<vmem_shared>>) target_semaphore(%run_scoped3A_10 : memref<!tpu.dma_semaphore, #tpu.memory_space<semaphore_mem>>)
      %dma_wait3A = tpu.memref_slice %arg12[%mul3A_2] : memref<10240xf32, #tpu.memory_space<vmem_shared>> -> memref<640xf32, #tpu.memory_space<vmem_shared>>
      %dma_wait3A_12 = tpu.memref_slice %arg5[%mul3A_2] : memref<10240xf32, #tpu.memory_space<hbm>> -> memref<640xf32, #tpu.memory_space<hbm>>
      tpu.wait_dma2 semaphore(%run_scoped3A_10 : memref<!tpu.dma_semaphore, #tpu.memory_space<semaphore_mem>>) src(%dma_wait3A_12 : memref<640xf32, #tpu.memory_space<hbm>>) dst(%dma_wait3A : memref<640xf32, #tpu.memory_space<vmem_shared>>)
      tpu.yield
    }) : () -> ()
    "tpu.region"() ({
      %run_scoped3A_10 = tpu.sem_alloc : memref<!tpu.dma_semaphore, #tpu.memory_space<semaphore_mem>>
      %dma_start3A = tpu.memref_slice %arg13[%mul3A_2] : memref<10240xf32, #tpu.memory_space<vmem_shared>> -> memref<640xf32, #tpu.memory_space<vmem_shared>>
      %dma_start3A_11 = tpu.memref_slice %arg5[%mul3A_2] : memref<10240xf32, #tpu.memory_space<hbm>> -> memref<640xf32, #tpu.memory_space<hbm>>
      tpu.enqueue_dma source(%dma_start3A_11 : memref<640xf32, #tpu.memory_space<hbm>>) target(%dma_start3A : memref<640xf32, #tpu.memory_space<vmem_shared>>) target_semaphore(%run_scoped3A_10 : memref<!tpu.dma_semaphore, #tpu.memory_space<semaphore_mem>>)
      %dma_wait3A = tpu.memref_slice %arg13[%mul3A_2] : memref<10240xf32, #tpu.memory_space<vmem_shared>> -> memref<640xf32, #tpu.memory_space<vmem_shared>>
      %dma_wait3A_12 = tpu.memref_slice %arg5[%mul3A_2] : memref<10240xf32, #tpu.memory_space<hbm>> -> memref<640xf32, #tpu.memory_space<hbm>>
      tpu.wait_dma2 semaphore(%run_scoped3A_10 : memref<!tpu.dma_semaphore, #tpu.memory_space<semaphore_mem>>) src(%dma_wait3A_12 : memref<640xf32, #tpu.memory_space<hbm>>) dst(%dma_wait3A : memref<640xf32, #tpu.memory_space<vmem_shared>>)
      tpu.yield
    }) : () -> ()
    "tpu.region"() ({
      %run_scoped3A_10 = tpu.sem_alloc : memref<!tpu.dma_semaphore, #tpu.memory_space<semaphore_mem>>
      tpu.enqueue_dma source(%arg4 : memref<40xf32, #tpu.memory_space<hbm>>) target(%arg9 : memref<40xf32, #tpu.memory_space<vmem>>) target_semaphore(%run_scoped3A_10 : memref<!tpu.dma_semaphore, #tpu.memory_space<semaphore_mem>>)
      tpu.wait_dma2 semaphore(%run_scoped3A_10 : memref<!tpu.dma_semaphore, #tpu.memory_space<semaphore_mem>>) src(%arg4 : memref<40xf32, #tpu.memory_space<hbm>>) dst(%arg9 : memref<40xf32, #tpu.memory_space<vmem>>)
      tpu.yield
    }) : () -> ()
    "tpu.region"() ({
      %run_scoped3A_10 = tpu.sem_alloc : memref<!tpu.dma_semaphore, #tpu.memory_space<semaphore_mem>>
      %dma_start3A = arith.constant 0 : i32
      %dma_start3A_11 = arith.constant 0 : i32
      %dma_start3A_12 = tpu.memref_slice %arg2[%add3A, %dma_start3A, %dma_start3A_11] : memref<32x250x40xi32, #tpu.memory_space<hbm>> -> memref<1x250x40xi32, #tpu.memory_space<hbm>>
      %dma_start3A_13 = tpu.memref_squeeze %dma_start3A_12 : memref<1x250x40xi32, #tpu.memory_space<hbm>> -> memref<250x40xi32, #tpu.memory_space<hbm>>
      %dma_start3A_14 = arith.constant 0 : i32
      %dma_start3A_15 = arith.constant 0 : i32
      %dma_start3A_16 = tpu.memref_slice %arg2[%add3A, %dma_start3A_14, %dma_start3A_15] : memref<32x250x40xi32, #tpu.memory_space<hbm>> -> memref<1x250x40xi32, #tpu.memory_space<hbm>>
      %dma_start3A_17 = tpu.memref_squeeze %dma_start3A_16 : memref<1x250x40xi32, #tpu.memory_space<hbm>> -> memref<250x40xi32, #tpu.memory_space<hbm>>
      tpu.enqueue_dma source(%dma_start3A_17 : memref<250x40xi32, #tpu.memory_space<hbm>>) target(%arg7 : memref<250x40xi32, #tpu.memory_space<vmem>>) target_semaphore(%run_scoped3A_10 : memref<!tpu.dma_semaphore, #tpu.memory_space<semaphore_mem>>)
      %dma_wait3A = arith.constant 0 : i32
      %dma_wait3A_18 = arith.constant 0 : i32
      %dma_wait3A_19 = tpu.memref_slice %arg2[%add3A, %dma_wait3A, %dma_wait3A_18] : memref<32x250x40xi32, #tpu.memory_space<hbm>> -> memref<1x250x40xi32, #tpu.memory_space<hbm>>
      %dma_wait3A_20 = tpu.memref_squeeze %dma_wait3A_19 : memref<1x250x40xi32, #tpu.memory_space<hbm>> -> memref<250x40xi32, #tpu.memory_space<hbm>>
      %dma_wait3A_21 = arith.constant 0 : i32
      %dma_wait3A_22 = arith.constant 0 : i32
      %dma_wait3A_23 = tpu.memref_slice %arg2[%add3A, %dma_wait3A_21, %dma_wait3A_22] : memref<32x250x40xi32, #tpu.memory_space<hbm>> -> memref<1x250x40xi32, #tpu.memory_space<hbm>>
      %dma_wait3A_24 = tpu.memref_squeeze %dma_wait3A_23 : memref<1x250x40xi32, #tpu.memory_space<hbm>> -> memref<250x40xi32, #tpu.memory_space<hbm>>
      tpu.wait_dma2 semaphore(%run_scoped3A_10 : memref<!tpu.dma_semaphore, #tpu.memory_space<semaphore_mem>>) src(%dma_wait3A_24 : memref<250x40xi32, #tpu.memory_space<hbm>>) dst(%arg7 : memref<250x40xi32, #tpu.memory_space<vmem>>)
      tpu.yield
    }) : () -> ()
    "tpu.region"() ({
      %run_scoped3A_10 = tpu.sem_alloc : memref<!tpu.dma_semaphore, #tpu.memory_space<semaphore_mem>>
      %dma_start3A = arith.constant 0 : i32
      %dma_start3A_11 = arith.constant 0 : i32
      %dma_start3A_12 = tpu.memref_slice %arg3[%add3A, %dma_start3A, %dma_start3A_11] : memref<32x250x40xi32, #tpu.memory_space<hbm>> -> memref<1x250x40xi32, #tpu.memory_space<hbm>>
      %dma_start3A_13 = tpu.memref_squeeze %dma_start3A_12 : memref<1x250x40xi32, #tpu.memory_space<hbm>> -> memref<250x40xi32, #tpu.memory_space<hbm>>
      %dma_start3A_14 = arith.constant 0 : i32
      %dma_start3A_15 = arith.constant 0 : i32
      %dma_start3A_16 = tpu.memref_slice %arg3[%add3A, %dma_start3A_14, %dma_start3A_15] : memref<32x250x40xi32, #tpu.memory_space<hbm>> -> memref<1x250x40xi32, #tpu.memory_space<hbm>>
      %dma_start3A_17 = tpu.memref_squeeze %dma_start3A_16 : memref<1x250x40xi32, #tpu.memory_space<hbm>> -> memref<250x40xi32, #tpu.memory_space<hbm>>
      tpu.enqueue_dma source(%dma_start3A_17 : memref<250x40xi32, #tpu.memory_space<hbm>>) target(%arg8 : memref<250x40xi32, #tpu.memory_space<vmem>>) target_semaphore(%run_scoped3A_10 : memref<!tpu.dma_semaphore, #tpu.memory_space<semaphore_mem>>)
      %dma_wait3A = arith.constant 0 : i32
      %dma_wait3A_18 = arith.constant 0 : i32
      %dma_wait3A_19 = tpu.memref_slice %arg3[%add3A, %dma_wait3A, %dma_wait3A_18] : memref<32x250x40xi32, #tpu.memory_space<hbm>> -> memref<1x250x40xi32, #tpu.memory_space<hbm>>
      %dma_wait3A_20 = tpu.memref_squeeze %dma_wait3A_19 : memref<1x250x40xi32, #tpu.memory_space<hbm>> -> memref<250x40xi32, #tpu.memory_space<hbm>>
      %dma_wait3A_21 = arith.constant 0 : i32
      %dma_wait3A_22 = arith.constant 0 : i32
      %dma_wait3A_23 = tpu.memref_slice %arg3[%add3A, %dma_wait3A_21, %dma_wait3A_22] : memref<32x250x40xi32, #tpu.memory_space<hbm>> -> memref<1x250x40xi32, #tpu.memory_space<hbm>>
      %dma_wait3A_24 = tpu.memref_squeeze %dma_wait3A_23 : memref<1x250x40xi32, #tpu.memory_space<hbm>> -> memref<250x40xi32, #tpu.memory_space<hbm>>
      tpu.wait_dma2 semaphore(%run_scoped3A_10 : memref<!tpu.dma_semaphore, #tpu.memory_space<semaphore_mem>>) src(%dma_wait3A_24 : memref<250x40xi32, #tpu.memory_space<hbm>>) dst(%arg8 : memref<250x40xi32, #tpu.memory_space<vmem>>)
      tpu.yield
    }) : () -> ()
    %barrier3A = arith.constant 0 : index
    tpu.barrier barrier_id(%barrier3A)
    %scan3A = arith.constant 0 : i32
    %scan3A_3 = arith.constant 0 : i32
    %scan3A_4 = arith.constant 25 : i32
    %scan3A_5 = arith.addi %scan3A_3, %scan3A_4 : i32
    %scan3A_6 = arith.constant 1 : i32
    scf.for %scan3A_10 = %scan3A_3 to %scan3A_5 step %scan3A_6  : i32 {
      %mul3A_11 = arith.constant 10 : i32
      %mul3A_12 = arith.muli %scan3A_10, %mul3A_11 : i32
      %add3A_13 = arith.constant 0 : i32
      %add3A_14 = arith.addi %mul3A_12, %add3A_13 : i32
      %dma_start3A = arith.constant 0 : i32
      %dma_start3A_15 = tpu.memref_slice %arg7[%add3A_14, %dma_start3A] : memref<250x40xi32, #tpu.memory_space<vmem>> -> memref<1x40xi32, #tpu.memory_space<vmem>>
      %dma_start3A_16 = tpu.memref_squeeze %dma_start3A_15 : memref<1x40xi32, #tpu.memory_space<vmem>> -> memref<40xi32, #tpu.memory_space<vmem>>
      %dma_start3A_17 = arith.constant 0 : i32
      %dma_start3A_18 = tpu.memref_slice %arg12[%dma_start3A_17] : memref<10240xf32, #tpu.memory_space<vmem_shared>> -> memref<10240xf32, #tpu.memory_space<vmem_shared>>
      tpu.enqueue_indirect_dma source(%arg9 : memref<40xf32, #tpu.memory_space<vmem>>) target(%dma_start3A_18 : memref<10240xf32, #tpu.memory_space<vmem_shared>>) offsets(%dma_start3A_16 : memref<40xi32, #tpu.memory_space<vmem>>) semaphore(%arg10 : memref<!tpu.dma_semaphore, #tpu.memory_space<semaphore_mem>>) {add = true}
      %add3A_19 = arith.constant 0 : i32
      %add3A_20 = arith.addi %mul3A_12, %add3A_19 : i32
      %dma_start3A_21 = arith.constant 0 : i32
      %dma_start3A_22 = tpu.memref_slice %arg8[%add3A_20, %dma_start3A_21] : memref<250x40xi32, #tpu.memory_space<vmem>> -> memref<1x40xi32, #tpu.memory_space<vmem>>
      %dma_start3A_23 = tpu.memref_squeeze %dma_start3A_22 : memref<1x40xi32, #tpu.memory_space<vmem>> -> memref<40xi32, #tpu.memory_space<vmem>>
      %dma_start3A_24 = arith.constant 0 : i32
      %dma_start3A_25 = tpu.memref_slice %arg13[%dma_start3A_24] : memref<10240xf32, #tpu.memory_space<vmem_shared>> -> memref<10240xf32, #tpu.memory_space<vmem_shared>>
      tpu.enqueue_indirect_dma source(%arg9 : memref<40xf32, #tpu.memory_space<vmem>>) target(%dma_start3A_25 : memref<10240xf32, #tpu.memory_space<vmem_shared>>) offsets(%dma_start3A_23 : memref<40xi32, #tpu.memory_space<vmem>>) semaphore(%arg11 : memref<!tpu.dma_semaphore, #tpu.memory_space<semaphore_mem>>) {add = true}
      %add3A_26 = arith.constant 1 : i32
      %add3A_27 = arith.addi %mul3A_12, %add3A_26 : i32
      %dma_start3A_28 = arith.constant 0 : i32
      %dma_start3A_29 = tpu.memref_slice %arg7[%add3A_27, %dma_start3A_28] : memref<250x40xi32, #tpu.memory_space<vmem>> -> memref<1x40xi32, #tpu.memory_space<vmem>>
      %dma_start3A_30 = tpu.memref_squeeze %dma_start3A_29 : memref<1x40xi32, #tpu.memory_space<vmem>> -> memref<40xi32, #tpu.memory_space<vmem>>
      %dma_start3A_31 = arith.constant 0 : i32
      %dma_start3A_32 = tpu.memref_slice %arg12[%dma_start3A_31] : memref<10240xf32, #tpu.memory_space<vmem_shared>> -> memref<10240xf32, #tpu.memory_space<vmem_shared>>
      tpu.enqueue_indirect_dma source(%arg9 : memref<40xf32, #tpu.memory_space<vmem>>) target(%dma_start3A_32 : memref<10240xf32, #tpu.memory_space<vmem_shared>>) offsets(%dma_start3A_30 : memref<40xi32, #tpu.memory_space<vmem>>) semaphore(%arg10 : memref<!tpu.dma_semaphore, #tpu.memory_space<semaphore_mem>>) {add = true}
      %add3A_33 = arith.constant 1 : i32
      %add3A_34 = arith.addi %mul3A_12, %add3A_33 : i32
      %dma_start3A_35 = arith.constant 0 : i32
      %dma_start3A_36 = tpu.memref_slice %arg8[%add3A_34, %dma_start3A_35] : memref<250x40xi32, #tpu.memory_space<vmem>> -> memref<1x40xi32, #tpu.memory_space<vmem>>
      %dma_start3A_37 = tpu.memref_squeeze %dma_start3A_36 : memref<1x40xi32, #tpu.memory_space<vmem>> -> memref<40xi32, #tpu.memory_space<vmem>>
      %dma_start3A_38 = arith.constant 0 : i32
      %dma_start3A_39 = tpu.memref_slice %arg13[%dma_start3A_38] : memref<10240xf32, #tpu.memory_space<vmem_shared>> -> memref<10240xf32, #tpu.memory_space<vmem_shared>>
      tpu.enqueue_indirect_dma source(%arg9 : memref<40xf32, #tpu.memory_space<vmem>>) target(%dma_start3A_39 : memref<10240xf32, #tpu.memory_space<vmem_shared>>) offsets(%dma_start3A_37 : memref<40xi32, #tpu.memory_space<vmem>>) semaphore(%arg11 : memref<!tpu.dma_semaphore, #tpu.memory_space<semaphore_mem>>) {add = true}
      %add3A_40 = arith.constant 2 : i32
      %add3A_41 = arith.addi %mul3A_12, %add3A_40 : i32
      %dma_start3A_42 = arith.constant 0 : i32
      %dma_start3A_43 = tpu.memref_slice %arg7[%add3A_41, %dma_start3A_42] : memref<250x40xi32, #tpu.memory_space<vmem>> -> memref<1x40xi32, #tpu.memory_space<vmem>>
      %dma_start3A_44 = tpu.memref_squeeze %dma_start3A_43 : memref<1x40xi32, #tpu.memory_space<vmem>> -> memref<40xi32, #tpu.memory_space<vmem>>
      %dma_start3A_45 = arith.constant 0 : i32
      %dma_start3A_46 = tpu.memref_slice %arg12[%dma_start3A_45] : memref<10240xf32, #tpu.memory_space<vmem_shared>> -> memref<10240xf32, #tpu.memory_space<vmem_shared>>
      tpu.enqueue_indirect_dma source(%arg9 : memref<40xf32, #tpu.memory_space<vmem>>) target(%dma_start3A_46 : memref<10240xf32, #tpu.memory_space<vmem_shared>>) offsets(%dma_start3A_44 : memref<40xi32, #tpu.memory_space<vmem>>) semaphore(%arg10 : memref<!tpu.dma_semaphore, #tpu.memory_space<semaphore_mem>>) {add = true}
      %add3A_47 = arith.constant 2 : i32
      %add3A_48 = arith.addi %mul3A_12, %add3A_47 : i32
      %dma_start3A_49 = arith.constant 0 : i32
      %dma_start3A_50 = tpu.memref_slice %arg8[%add3A_48, %dma_start3A_49] : memref<250x40xi32, #tpu.memory_space<vmem>> -> memref<1x40xi32, #tpu.memory_space<vmem>>
      %dma_start3A_51 = tpu.memref_squeeze %dma_start3A_50 : memref<1x40xi32, #tpu.memory_space<vmem>> -> memref<40xi32, #tpu.memory_space<vmem>>
      %dma_start3A_52 = arith.constant 0 : i32
      %dma_start3A_53 = tpu.memref_slice %arg13[%dma_start3A_52] : memref<10240xf32, #tpu.memory_space<vmem_shared>> -> memref<10240xf32, #tpu.memory_space<vmem_shared>>
      tpu.enqueue_indirect_dma source(%arg9 : memref<40xf32, #tpu.memory_space<vmem>>) target(%dma_start3A_53 : memref<10240xf32, #tpu.memory_space<vmem_shared>>) offsets(%dma_start3A_51 : memref<40xi32, #tpu.memory_space<vmem>>) semaphore(%arg11 : memref<!tpu.dma_semaphore, #tpu.memory_space<semaphore_mem>>) {add = true}
      %add3A_54 = arith.constant 3 : i32
      %add3A_55 = arith.addi %mul3A_12, %add3A_54 : i32
      %dma_start3A_56 = arith.constant 0 : i32
      %dma_start3A_57 = tpu.memref_slice %arg7[%add3A_55, %dma_start3A_56] : memref<250x40xi32, #tpu.memory_space<vmem>> -> memref<1x40xi32, #tpu.memory_space<vmem>>
      %dma_start3A_58 = tpu.memref_squeeze %dma_start3A_57 : memref<1x40xi32, #tpu.memory_space<vmem>> -> memref<40xi32, #tpu.memory_space<vmem>>
      %dma_start3A_59 = arith.constant 0 : i32
      %dma_start3A_60 = tpu.memref_slice %arg12[%dma_start3A_59] : memref<10240xf32, #tpu.memory_space<vmem_shared>> -> memref<10240xf32, #tpu.memory_space<vmem_shared>>
      tpu.enqueue_indirect_dma source(%arg9 : memref<40xf32, #tpu.memory_space<vmem>>) target(%dma_start3A_60 : memref<10240xf32, #tpu.memory_space<vmem_shared>>) offsets(%dma_start3A_58 : memref<40xi32, #tpu.memory_space<vmem>>) semaphore(%arg10 : memref<!tpu.dma_semaphore, #tpu.memory_space<semaphore_mem>>) {add = true}
      %add3A_61 = arith.constant 3 : i32
      %add3A_62 = arith.addi %mul3A_12, %add3A_61 : i32
      %dma_start3A_63 = arith.constant 0 : i32
      %dma_start3A_64 = tpu.memref_slice %arg8[%add3A_62, %dma_start3A_63] : memref<250x40xi32, #tpu.memory_space<vmem>> -> memref<1x40xi32, #tpu.memory_space<vmem>>
      %dma_start3A_65 = tpu.memref_squeeze %dma_start3A_64 : memref<1x40xi32, #tpu.memory_space<vmem>> -> memref<40xi32, #tpu.memory_space<vmem>>
      %dma_start3A_66 = arith.constant 0 : i32
      %dma_start3A_67 = tpu.memref_slice %arg13[%dma_start3A_66] : memref<10240xf32, #tpu.memory_space<vmem_shared>> -> memref<10240xf32, #tpu.memory_space<vmem_shared>>
      tpu.enqueue_indirect_dma source(%arg9 : memref<40xf32, #tpu.memory_space<vmem>>) target(%dma_start3A_67 : memref<10240xf32, #tpu.memory_space<vmem_shared>>) offsets(%dma_start3A_65 : memref<40xi32, #tpu.memory_space<vmem>>) semaphore(%arg11 : memref<!tpu.dma_semaphore, #tpu.memory_space<semaphore_mem>>) {add = true}
      %add3A_68 = arith.constant 4 : i32
      %add3A_69 = arith.addi %mul3A_12, %add3A_68 : i32
      %dma_start3A_70 = arith.constant 0 : i32
      %dma_start3A_71 = tpu.memref_slice %arg7[%add3A_69, %dma_start3A_70] : memref<250x40xi32, #tpu.memory_space<vmem>> -> memref<1x40xi32, #tpu.memory_space<vmem>>
      %dma_start3A_72 = tpu.memref_squeeze %dma_start3A_71 : memref<1x40xi32, #tpu.memory_space<vmem>> -> memref<40xi32, #tpu.memory_space<vmem>>
      %dma_start3A_73 = arith.constant 0 : i32
      %dma_start3A_74 = tpu.memref_slice %arg12[%dma_start3A_73] : memref<10240xf32, #tpu.memory_space<vmem_shared>> -> memref<10240xf32, #tpu.memory_space<vmem_shared>>
      tpu.enqueue_indirect_dma source(%arg9 : memref<40xf32, #tpu.memory_space<vmem>>) target(%dma_start3A_74 : memref<10240xf32, #tpu.memory_space<vmem_shared>>) offsets(%dma_start3A_72 : memref<40xi32, #tpu.memory_space<vmem>>) semaphore(%arg10 : memref<!tpu.dma_semaphore, #tpu.memory_space<semaphore_mem>>) {add = true}
      %add3A_75 = arith.constant 4 : i32
      %add3A_76 = arith.addi %mul3A_12, %add3A_75 : i32
      %dma_start3A_77 = arith.constant 0 : i32
      %dma_start3A_78 = tpu.memref_slice %arg8[%add3A_76, %dma_start3A_77] : memref<250x40xi32, #tpu.memory_space<vmem>> -> memref<1x40xi32, #tpu.memory_space<vmem>>
      %dma_start3A_79 = tpu.memref_squeeze %dma_start3A_78 : memref<1x40xi32, #tpu.memory_space<vmem>> -> memref<40xi32, #tpu.memory_space<vmem>>
      %dma_start3A_80 = arith.constant 0 : i32
      %dma_start3A_81 = tpu.memref_slice %arg13[%dma_start3A_80] : memref<10240xf32, #tpu.memory_space<vmem_shared>> -> memref<10240xf32, #tpu.memory_space<vmem_shared>>
      tpu.enqueue_indirect_dma source(%arg9 : memref<40xf32, #tpu.memory_space<vmem>>) target(%dma_start3A_81 : memref<10240xf32, #tpu.memory_space<vmem_shared>>) offsets(%dma_start3A_79 : memref<40xi32, #tpu.memory_space<vmem>>) semaphore(%arg11 : memref<!tpu.dma_semaphore, #tpu.memory_space<semaphore_mem>>) {add = true}
      %add3A_82 = arith.constant 5 : i32
      %add3A_83 = arith.addi %mul3A_12, %add3A_82 : i32
      %dma_start3A_84 = arith.constant 0 : i32
      %dma_start3A_85 = tpu.memref_slice %arg7[%add3A_83, %dma_start3A_84] : memref<250x40xi32, #tpu.memory_space<vmem>> -> memref<1x40xi32, #tpu.memory_space<vmem>>
      %dma_start3A_86 = tpu.memref_squeeze %dma_start3A_85 : memref<1x40xi32, #tpu.memory_space<vmem>> -> memref<40xi32, #tpu.memory_space<vmem>>
      %dma_start3A_87 = arith.constant 0 : i32
      %dma_start3A_88 = tpu.memref_slice %arg12[%dma_start3A_87] : memref<10240xf32, #tpu.memory_space<vmem_shared>> -> memref<10240xf32, #tpu.memory_space<vmem_shared>>
      tpu.enqueue_indirect_dma source(%arg9 : memref<40xf32, #tpu.memory_space<vmem>>) target(%dma_start3A_88 : memref<10240xf32, #tpu.memory_space<vmem_shared>>) offsets(%dma_start3A_86 : memref<40xi32, #tpu.memory_space<vmem>>) semaphore(%arg10 : memref<!tpu.dma_semaphore, #tpu.memory_space<semaphore_mem>>) {add = true}
      %add3A_89 = arith.constant 5 : i32
      %add3A_90 = arith.addi %mul3A_12, %add3A_89 : i32
      %dma_start3A_91 = arith.constant 0 : i32
      %dma_start3A_92 = tpu.memref_slice %arg8[%add3A_90, %dma_start3A_91] : memref<250x40xi32, #tpu.memory_space<vmem>> -> memref<1x40xi32, #tpu.memory_space<vmem>>
      %dma_start3A_93 = tpu.memref_squeeze %dma_start3A_92 : memref<1x40xi32, #tpu.memory_space<vmem>> -> memref<40xi32, #tpu.memory_space<vmem>>
      %dma_start3A_94 = arith.constant 0 : i32
      %dma_start3A_95 = tpu.memref_slice %arg13[%dma_start3A_94] : memref<10240xf32, #tpu.memory_space<vmem_shared>> -> memref<10240xf32, #tpu.memory_space<vmem_shared>>
      tpu.enqueue_indirect_dma source(%arg9 : memref<40xf32, #tpu.memory_space<vmem>>) target(%dma_start3A_95 : memref<10240xf32, #tpu.memory_space<vmem_shared>>) offsets(%dma_start3A_93 : memref<40xi32, #tpu.memory_space<vmem>>) semaphore(%arg11 : memref<!tpu.dma_semaphore, #tpu.memory_space<semaphore_mem>>) {add = true}
      %add3A_96 = arith.constant 6 : i32
      %add3A_97 = arith.addi %mul3A_12, %add3A_96 : i32
      %dma_start3A_98 = arith.constant 0 : i32
      %dma_start3A_99 = tpu.memref_slice %arg7[%add3A_97, %dma_start3A_98] : memref<250x40xi32, #tpu.memory_space<vmem>> -> memref<1x40xi32, #tpu.memory_space<vmem>>
      %dma_start3A_100 = tpu.memref_squeeze %dma_start3A_99 : memref<1x40xi32, #tpu.memory_space<vmem>> -> memref<40xi32, #tpu.memory_space<vmem>>
      %dma_start3A_101 = arith.constant 0 : i32
      %dma_start3A_102 = tpu.memref_slice %arg12[%dma_start3A_101] : memref<10240xf32, #tpu.memory_space<vmem_shared>> -> memref<10240xf32, #tpu.memory_space<vmem_shared>>
      tpu.enqueue_indirect_dma source(%arg9 : memref<40xf32, #tpu.memory_space<vmem>>) target(%dma_start3A_102 : memref<10240xf32, #tpu.memory_space<vmem_shared>>) offsets(%dma_start3A_100 : memref<40xi32, #tpu.memory_space<vmem>>) semaphore(%arg10 : memref<!tpu.dma_semaphore, #tpu.memory_space<semaphore_mem>>) {add = true}
      %add3A_103 = arith.constant 6 : i32
      %add3A_104 = arith.addi %mul3A_12, %add3A_103 : i32
      %dma_start3A_105 = arith.constant 0 : i32
      %dma_start3A_106 = tpu.memref_slice %arg8[%add3A_104, %dma_start3A_105] : memref<250x40xi32, #tpu.memory_space<vmem>> -> memref<1x40xi32, #tpu.memory_space<vmem>>
      %dma_start3A_107 = tpu.memref_squeeze %dma_start3A_106 : memref<1x40xi32, #tpu.memory_space<vmem>> -> memref<40xi32, #tpu.memory_space<vmem>>
      %dma_start3A_108 = arith.constant 0 : i32
      %dma_start3A_109 = tpu.memref_slice %arg13[%dma_start3A_108] : memref<10240xf32, #tpu.memory_space<vmem_shared>> -> memref<10240xf32, #tpu.memory_space<vmem_shared>>
      tpu.enqueue_indirect_dma source(%arg9 : memref<40xf32, #tpu.memory_space<vmem>>) target(%dma_start3A_109 : memref<10240xf32, #tpu.memory_space<vmem_shared>>) offsets(%dma_start3A_107 : memref<40xi32, #tpu.memory_space<vmem>>) semaphore(%arg11 : memref<!tpu.dma_semaphore, #tpu.memory_space<semaphore_mem>>) {add = true}
      %add3A_110 = arith.constant 7 : i32
      %add3A_111 = arith.addi %mul3A_12, %add3A_110 : i32
      %dma_start3A_112 = arith.constant 0 : i32
      %dma_start3A_113 = tpu.memref_slice %arg7[%add3A_111, %dma_start3A_112] : memref<250x40xi32, #tpu.memory_space<vmem>> -> memref<1x40xi32, #tpu.memory_space<vmem>>
      %dma_start3A_114 = tpu.memref_squeeze %dma_start3A_113 : memref<1x40xi32, #tpu.memory_space<vmem>> -> memref<40xi32, #tpu.memory_space<vmem>>
      %dma_start3A_115 = arith.constant 0 : i32
      %dma_start3A_116 = tpu.memref_slice %arg12[%dma_start3A_115] : memref<10240xf32, #tpu.memory_space<vmem_shared>> -> memref<10240xf32, #tpu.memory_space<vmem_shared>>
      tpu.enqueue_indirect_dma source(%arg9 : memref<40xf32, #tpu.memory_space<vmem>>) target(%dma_start3A_116 : memref<10240xf32, #tpu.memory_space<vmem_shared>>) offsets(%dma_start3A_114 : memref<40xi32, #tpu.memory_space<vmem>>) semaphore(%arg10 : memref<!tpu.dma_semaphore, #tpu.memory_space<semaphore_mem>>) {add = true}
      %add3A_117 = arith.constant 7 : i32
      %add3A_118 = arith.addi %mul3A_12, %add3A_117 : i32
      %dma_start3A_119 = arith.constant 0 : i32
      %dma_start3A_120 = tpu.memref_slice %arg8[%add3A_118, %dma_start3A_119] : memref<250x40xi32, #tpu.memory_space<vmem>> -> memref<1x40xi32, #tpu.memory_space<vmem>>
      %dma_start3A_121 = tpu.memref_squeeze %dma_start3A_120 : memref<1x40xi32, #tpu.memory_space<vmem>> -> memref<40xi32, #tpu.memory_space<vmem>>
      %dma_start3A_122 = arith.constant 0 : i32
      %dma_start3A_123 = tpu.memref_slice %arg13[%dma_start3A_122] : memref<10240xf32, #tpu.memory_space<vmem_shared>> -> memref<10240xf32, #tpu.memory_space<vmem_shared>>
      tpu.enqueue_indirect_dma source(%arg9 : memref<40xf32, #tpu.memory_space<vmem>>) target(%dma_start3A_123 : memref<10240xf32, #tpu.memory_space<vmem_shared>>) offsets(%dma_start3A_121 : memref<40xi32, #tpu.memory_space<vmem>>) semaphore(%arg11 : memref<!tpu.dma_semaphore, #tpu.memory_space<semaphore_mem>>) {add = true}
      %add3A_124 = arith.constant 8 : i32
      %add3A_125 = arith.addi %mul3A_12, %add3A_124 : i32
      %dma_start3A_126 = arith.constant 0 : i32
      %dma_start3A_127 = tpu.memref_slice %arg7[%add3A_125, %dma_start3A_126] : memref<250x40xi32, #tpu.memory_space<vmem>> -> memref<1x40xi32, #tpu.memory_space<vmem>>
      %dma_start3A_128 = tpu.memref_squeeze %dma_start3A_127 : memref<1x40xi32, #tpu.memory_space<vmem>> -> memref<40xi32, #tpu.memory_space<vmem>>
      %dma_start3A_129 = arith.constant 0 : i32
      %dma_start3A_130 = tpu.memref_slice %arg12[%dma_start3A_129] : memref<10240xf32, #tpu.memory_space<vmem_shared>> -> memref<10240xf32, #tpu.memory_space<vmem_shared>>
      tpu.enqueue_indirect_dma source(%arg9 : memref<40xf32, #tpu.memory_space<vmem>>) target(%dma_start3A_130 : memref<10240xf32, #tpu.memory_space<vmem_shared>>) offsets(%dma_start3A_128 : memref<40xi32, #tpu.memory_space<vmem>>) semaphore(%arg10 : memref<!tpu.dma_semaphore, #tpu.memory_space<semaphore_mem>>) {add = true}
      %add3A_131 = arith.constant 8 : i32
      %add3A_132 = arith.addi %mul3A_12, %add3A_131 : i32
      %dma_start3A_133 = arith.constant 0 : i32
      %dma_start3A_134 = tpu.memref_slice %arg8[%add3A_132, %dma_start3A_133] : memref<250x40xi32, #tpu.memory_space<vmem>> -> memref<1x40xi32, #tpu.memory_space<vmem>>
      %dma_start3A_135 = tpu.memref_squeeze %dma_start3A_134 : memref<1x40xi32, #tpu.memory_space<vmem>> -> memref<40xi32, #tpu.memory_space<vmem>>
      %dma_start3A_136 = arith.constant 0 : i32
      %dma_start3A_137 = tpu.memref_slice %arg13[%dma_start3A_136] : memref<10240xf32, #tpu.memory_space<vmem_shared>> -> memref<10240xf32, #tpu.memory_space<vmem_shared>>
      tpu.enqueue_indirect_dma source(%arg9 : memref<40xf32, #tpu.memory_space<vmem>>) target(%dma_start3A_137 : memref<10240xf32, #tpu.memory_space<vmem_shared>>) offsets(%dma_start3A_135 : memref<40xi32, #tpu.memory_space<vmem>>) semaphore(%arg11 : memref<!tpu.dma_semaphore, #tpu.memory_space<semaphore_mem>>) {add = true}
      %add3A_138 = arith.constant 9 : i32
      %add3A_139 = arith.addi %mul3A_12, %add3A_138 : i32
      %dma_start3A_140 = arith.constant 0 : i32
      %dma_start3A_141 = tpu.memref_slice %arg7[%add3A_139, %dma_start3A_140] : memref<250x40xi32, #tpu.memory_space<vmem>> -> memref<1x40xi32, #tpu.memory_space<vmem>>
      %dma_start3A_142 = tpu.memref_squeeze %dma_start3A_141 : memref<1x40xi32, #tpu.memory_space<vmem>> -> memref<40xi32, #tpu.memory_space<vmem>>
      %dma_start3A_143 = arith.constant 0 : i32
      %dma_start3A_144 = tpu.memref_slice %arg12[%dma_start3A_143] : memref<10240xf32, #tpu.memory_space<vmem_shared>> -> memref<10240xf32, #tpu.memory_space<vmem_shared>>
      tpu.enqueue_indirect_dma source(%arg9 : memref<40xf32, #tpu.memory_space<vmem>>) target(%dma_start3A_144 : memref<10240xf32, #tpu.memory_space<vmem_shared>>) offsets(%dma_start3A_142 : memref<40xi32, #tpu.memory_space<vmem>>) semaphore(%arg10 : memref<!tpu.dma_semaphore, #tpu.memory_space<semaphore_mem>>) {add = true}
      %add3A_145 = arith.constant 9 : i32
      %add3A_146 = arith.addi %mul3A_12, %add3A_145 : i32
      %dma_start3A_147 = arith.constant 0 : i32
      %dma_start3A_148 = tpu.memref_slice %arg8[%add3A_146, %dma_start3A_147] : memref<250x40xi32, #tpu.memory_space<vmem>> -> memref<1x40xi32, #tpu.memory_space<vmem>>
      %dma_start3A_149 = tpu.memref_squeeze %dma_start3A_148 : memref<1x40xi32, #tpu.memory_space<vmem>> -> memref<40xi32, #tpu.memory_space<vmem>>
      %dma_start3A_150 = arith.constant 0 : i32
      %dma_start3A_151 = tpu.memref_slice %arg13[%dma_start3A_150] : memref<10240xf32, #tpu.memory_space<vmem_shared>> -> memref<10240xf32, #tpu.memory_space<vmem_shared>>
      tpu.enqueue_indirect_dma source(%arg9 : memref<40xf32, #tpu.memory_space<vmem>>) target(%dma_start3A_151 : memref<10240xf32, #tpu.memory_space<vmem_shared>>) offsets(%dma_start3A_149 : memref<40xi32, #tpu.memory_space<vmem>>) semaphore(%arg11 : memref<!tpu.dma_semaphore, #tpu.memory_space<semaphore_mem>>) {add = true}
      %add3A_152 = arith.constant 0 : i32
      %add3A_153 = arith.addi %mul3A_12, %add3A_152 : i32
      %dma_wait3A = arith.constant 0 : i32
      %dma_wait3A_154 = tpu.memref_slice %arg7[%add3A_153, %dma_wait3A] : memref<250x40xi32, #tpu.memory_space<vmem>> -> memref<1x40xi32, #tpu.memory_space<vmem>>
      %dma_wait3A_155 = tpu.memref_squeeze %dma_wait3A_154 : memref<1x40xi32, #tpu.memory_space<vmem>> -> memref<40xi32, #tpu.memory_space<vmem>>
      %dma_wait3A_156 = arith.constant 0 : i32
      %dma_wait3A_157 = tpu.memref_slice %arg12[%dma_wait3A_156] : memref<10240xf32, #tpu.memory_space<vmem_shared>> -> memref<10240xf32, #tpu.memory_space<vmem_shared>>
      tpu.wait_indirect_dma semaphore(%arg10 : memref<!tpu.dma_semaphore, #tpu.memory_space<semaphore_mem>>) src(%arg9 : memref<40xf32, #tpu.memory_space<vmem>>) dst(%dma_wait3A_157 : memref<10240xf32, #tpu.memory_space<vmem_shared>>)
      %add3A_158 = arith.constant 0 : i32
      %add3A_159 = arith.addi %mul3A_12, %add3A_158 : i32
      %dma_wait3A_160 = arith.constant 0 : i32
      %dma_wait3A_161 = tpu.memref_slice %arg8[%add3A_159, %dma_wait3A_160] : memref<250x40xi32, #tpu.memory_space<vmem>> -> memref<1x40xi32, #tpu.memory_space<vmem>>
      %dma_wait3A_162 = tpu.memref_squeeze %dma_wait3A_161 : memref<1x40xi32, #tpu.memory_space<vmem>> -> memref<40xi32, #tpu.memory_space<vmem>>
      %dma_wait3A_163 = arith.constant 0 : i32
      %dma_wait3A_164 = tpu.memref_slice %arg13[%dma_wait3A_163] : memref<10240xf32, #tpu.memory_space<vmem_shared>> -> memref<10240xf32, #tpu.memory_space<vmem_shared>>
      tpu.wait_indirect_dma semaphore(%arg11 : memref<!tpu.dma_semaphore, #tpu.memory_space<semaphore_mem>>) src(%arg9 : memref<40xf32, #tpu.memory_space<vmem>>) dst(%dma_wait3A_164 : memref<10240xf32, #tpu.memory_space<vmem_shared>>)
      %add3A_165 = arith.constant 1 : i32
      %add3A_166 = arith.addi %mul3A_12, %add3A_165 : i32
      %dma_wait3A_167 = arith.constant 0 : i32
      %dma_wait3A_168 = tpu.memref_slice %arg7[%add3A_166, %dma_wait3A_167] : memref<250x40xi32, #tpu.memory_space<vmem>> -> memref<1x40xi32, #tpu.memory_space<vmem>>
      %dma_wait3A_169 = tpu.memref_squeeze %dma_wait3A_168 : memref<1x40xi32, #tpu.memory_space<vmem>> -> memref<40xi32, #tpu.memory_space<vmem>>
      %dma_wait3A_170 = arith.constant 0 : i32
      %dma_wait3A_171 = tpu.memref_slice %arg12[%dma_wait3A_170] : memref<10240xf32, #tpu.memory_space<vmem_shared>> -> memref<10240xf32, #tpu.memory_space<vmem_shared>>
      tpu.wait_indirect_dma semaphore(%arg10 : memref<!tpu.dma_semaphore, #tpu.memory_space<semaphore_mem>>) src(%arg9 : memref<40xf32, #tpu.memory_space<vmem>>) dst(%dma_wait3A_171 : memref<10240xf32, #tpu.memory_space<vmem_shared>>)
      %add3A_172 = arith.constant 1 : i32
      %add3A_173 = arith.addi %mul3A_12, %add3A_172 : i32
      %dma_wait3A_174 = arith.constant 0 : i32
      %dma_wait3A_175 = tpu.memref_slice %arg8[%add3A_173, %dma_wait3A_174] : memref<250x40xi32, #tpu.memory_space<vmem>> -> memref<1x40xi32, #tpu.memory_space<vmem>>
      %dma_wait3A_176 = tpu.memref_squeeze %dma_wait3A_175 : memref<1x40xi32, #tpu.memory_space<vmem>> -> memref<40xi32, #tpu.memory_space<vmem>>
      %dma_wait3A_177 = arith.constant 0 : i32
      %dma_wait3A_178 = tpu.memref_slice %arg13[%dma_wait3A_177] : memref<10240xf32, #tpu.memory_space<vmem_shared>> -> memref<10240xf32, #tpu.memory_space<vmem_shared>>
      tpu.wait_indirect_dma semaphore(%arg11 : memref<!tpu.dma_semaphore, #tpu.memory_space<semaphore_mem>>) src(%arg9 : memref<40xf32, #tpu.memory_space<vmem>>) dst(%dma_wait3A_178 : memref<10240xf32, #tpu.memory_space<vmem_shared>>)
      %add3A_179 = arith.constant 2 : i32
      %add3A_180 = arith.addi %mul3A_12, %add3A_179 : i32
      %dma_wait3A_181 = arith.constant 0 : i32
      %dma_wait3A_182 = tpu.memref_slice %arg7[%add3A_180, %dma_wait3A_181] : memref<250x40xi32, #tpu.memory_space<vmem>> -> memref<1x40xi32, #tpu.memory_space<vmem>>
      %dma_wait3A_183 = tpu.memref_squeeze %dma_wait3A_182 : memref<1x40xi32, #tpu.memory_space<vmem>> -> memref<40xi32, #tpu.memory_space<vmem>>
      %dma_wait3A_184 = arith.constant 0 : i32
      %dma_wait3A_185 = tpu.memref_slice %arg12[%dma_wait3A_184] : memref<10240xf32, #tpu.memory_space<vmem_shared>> -> memref<10240xf32, #tpu.memory_space<vmem_shared>>
      tpu.wait_indirect_dma semaphore(%arg10 : memref<!tpu.dma_semaphore, #tpu.memory_space<semaphore_mem>>) src(%arg9 : memref<40xf32, #tpu.memory_space<vmem>>) dst(%dma_wait3A_185 : memref<10240xf32, #tpu.memory_space<vmem_shared>>)
      %add3A_186 = arith.constant 2 : i32
      %add3A_187 = arith.addi %mul3A_12, %add3A_186 : i32
      %dma_wait3A_188 = arith.constant 0 : i32
      %dma_wait3A_189 = tpu.memref_slice %arg8[%add3A_187, %dma_wait3A_188] : memref<250x40xi32, #tpu.memory_space<vmem>> -> memref<1x40xi32, #tpu.memory_space<vmem>>
      %dma_wait3A_190 = tpu.memref_squeeze %dma_wait3A_189 : memref<1x40xi32, #tpu.memory_space<vmem>> -> memref<40xi32, #tpu.memory_space<vmem>>
      %dma_wait3A_191 = arith.constant 0 : i32
      %dma_wait3A_192 = tpu.memref_slice %arg13[%dma_wait3A_191] : memref<10240xf32, #tpu.memory_space<vmem_shared>> -> memref<10240xf32, #tpu.memory_space<vmem_shared>>
      tpu.wait_indirect_dma semaphore(%arg11 : memref<!tpu.dma_semaphore, #tpu.memory_space<semaphore_mem>>) src(%arg9 : memref<40xf32, #tpu.memory_space<vmem>>) dst(%dma_wait3A_192 : memref<10240xf32, #tpu.memory_space<vmem_shared>>)
      %add3A_193 = arith.constant 3 : i32
      %add3A_194 = arith.addi %mul3A_12, %add3A_193 : i32
      %dma_wait3A_195 = arith.constant 0 : i32
      %dma_wait3A_196 = tpu.memref_slice %arg7[%add3A_194, %dma_wait3A_195] : memref<250x40xi32, #tpu.memory_space<vmem>> -> memref<1x40xi32, #tpu.memory_space<vmem>>
      %dma_wait3A_197 = tpu.memref_squeeze %dma_wait3A_196 : memref<1x40xi32, #tpu.memory_space<vmem>> -> memref<40xi32, #tpu.memory_space<vmem>>
      %dma_wait3A_198 = arith.constant 0 : i32
      %dma_wait3A_199 = tpu.memref_slice %arg12[%dma_wait3A_198] : memref<10240xf32, #tpu.memory_space<vmem_shared>> -> memref<10240xf32, #tpu.memory_space<vmem_shared>>
      tpu.wait_indirect_dma semaphore(%arg10 : memref<!tpu.dma_semaphore, #tpu.memory_space<semaphore_mem>>) src(%arg9 : memref<40xf32, #tpu.memory_space<vmem>>) dst(%dma_wait3A_199 : memref<10240xf32, #tpu.memory_space<vmem_shared>>)
      %add3A_200 = arith.constant 3 : i32
      %add3A_201 = arith.addi %mul3A_12, %add3A_200 : i32
      %dma_wait3A_202 = arith.constant 0 : i32
      %dma_wait3A_203 = tpu.memref_slice %arg8[%add3A_201, %dma_wait3A_202] : memref<250x40xi32, #tpu.memory_space<vmem>> -> memref<1x40xi32, #tpu.memory_space<vmem>>
      %dma_wait3A_204 = tpu.memref_squeeze %dma_wait3A_203 : memref<1x40xi32, #tpu.memory_space<vmem>> -> memref<40xi32, #tpu.memory_space<vmem>>
      %dma_wait3A_205 = arith.constant 0 : i32
      %dma_wait3A_206 = tpu.memref_slice %arg13[%dma_wait3A_205] : memref<10240xf32, #tpu.memory_space<vmem_shared>> -> memref<10240xf32, #tpu.memory_space<vmem_shared>>
      tpu.wait_indirect_dma semaphore(%arg11 : memref<!tpu.dma_semaphore, #tpu.memory_space<semaphore_mem>>) src(%arg9 : memref<40xf32, #tpu.memory_space<vmem>>) dst(%dma_wait3A_206 : memref<10240xf32, #tpu.memory_space<vmem_shared>>)
      %add3A_207 = arith.constant 4 : i32
      %add3A_208 = arith.addi %mul3A_12, %add3A_207 : i32
      %dma_wait3A_209 = arith.constant 0 : i32
      %dma_wait3A_210 = tpu.memref_slice %arg7[%add3A_208, %dma_wait3A_209] : memref<250x40xi32, #tpu.memory_space<vmem>> -> memref<1x40xi32, #tpu.memory_space<vmem>>
      %dma_wait3A_211 = tpu.memref_squeeze %dma_wait3A_210 : memref<1x40xi32, #tpu.memory_space<vmem>> -> memref<40xi32, #tpu.memory_space<vmem>>
      %dma_wait3A_212 = arith.constant 0 : i32
      %dma_wait3A_213 = tpu.memref_slice %arg12[%dma_wait3A_212] : memref<10240xf32, #tpu.memory_space<vmem_shared>> -> memref<10240xf32, #tpu.memory_space<vmem_shared>>
      tpu.wait_indirect_dma semaphore(%arg10 : memref<!tpu.dma_semaphore, #tpu.memory_space<semaphore_mem>>) src(%arg9 : memref<40xf32, #tpu.memory_space<vmem>>) dst(%dma_wait3A_213 : memref<10240xf32, #tpu.memory_space<vmem_shared>>)
      %add3A_214 = arith.constant 4 : i32
      %add3A_215 = arith.addi %mul3A_12, %add3A_214 : i32
      %dma_wait3A_216 = arith.constant 0 : i32
      %dma_wait3A_217 = tpu.memref_slice %arg8[%add3A_215, %dma_wait3A_216] : memref<250x40xi32, #tpu.memory_space<vmem>> -> memref<1x40xi32, #tpu.memory_space<vmem>>
      %dma_wait3A_218 = tpu.memref_squeeze %dma_wait3A_217 : memref<1x40xi32, #tpu.memory_space<vmem>> -> memref<40xi32, #tpu.memory_space<vmem>>
      %dma_wait3A_219 = arith.constant 0 : i32
      %dma_wait3A_220 = tpu.memref_slice %arg13[%dma_wait3A_219] : memref<10240xf32, #tpu.memory_space<vmem_shared>> -> memref<10240xf32, #tpu.memory_space<vmem_shared>>
      tpu.wait_indirect_dma semaphore(%arg11 : memref<!tpu.dma_semaphore, #tpu.memory_space<semaphore_mem>>) src(%arg9 : memref<40xf32, #tpu.memory_space<vmem>>) dst(%dma_wait3A_220 : memref<10240xf32, #tpu.memory_space<vmem_shared>>)
      %add3A_221 = arith.constant 5 : i32
      %add3A_222 = arith.addi %mul3A_12, %add3A_221 : i32
      %dma_wait3A_223 = arith.constant 0 : i32
      %dma_wait3A_224 = tpu.memref_slice %arg7[%add3A_222, %dma_wait3A_223] : memref<250x40xi32, #tpu.memory_space<vmem>> -> memref<1x40xi32, #tpu.memory_space<vmem>>
      %dma_wait3A_225 = tpu.memref_squeeze %dma_wait3A_224 : memref<1x40xi32, #tpu.memory_space<vmem>> -> memref<40xi32, #tpu.memory_space<vmem>>
      %dma_wait3A_226 = arith.constant 0 : i32
      %dma_wait3A_227 = tpu.memref_slice %arg12[%dma_wait3A_226] : memref<10240xf32, #tpu.memory_space<vmem_shared>> -> memref<10240xf32, #tpu.memory_space<vmem_shared>>
      tpu.wait_indirect_dma semaphore(%arg10 : memref<!tpu.dma_semaphore, #tpu.memory_space<semaphore_mem>>) src(%arg9 : memref<40xf32, #tpu.memory_space<vmem>>) dst(%dma_wait3A_227 : memref<10240xf32, #tpu.memory_space<vmem_shared>>)
      %add3A_228 = arith.constant 5 : i32
      %add3A_229 = arith.addi %mul3A_12, %add3A_228 : i32
      %dma_wait3A_230 = arith.constant 0 : i32
      %dma_wait3A_231 = tpu.memref_slice %arg8[%add3A_229, %dma_wait3A_230] : memref<250x40xi32, #tpu.memory_space<vmem>> -> memref<1x40xi32, #tpu.memory_space<vmem>>
      %dma_wait3A_232 = tpu.memref_squeeze %dma_wait3A_231 : memref<1x40xi32, #tpu.memory_space<vmem>> -> memref<40xi32, #tpu.memory_space<vmem>>
      %dma_wait3A_233 = arith.constant 0 : i32
      %dma_wait3A_234 = tpu.memref_slice %arg13[%dma_wait3A_233] : memref<10240xf32, #tpu.memory_space<vmem_shared>> -> memref<10240xf32, #tpu.memory_space<vmem_shared>>
      tpu.wait_indirect_dma semaphore(%arg11 : memref<!tpu.dma_semaphore, #tpu.memory_space<semaphore_mem>>) src(%arg9 : memref<40xf32, #tpu.memory_space<vmem>>) dst(%dma_wait3A_234 : memref<10240xf32, #tpu.memory_space<vmem_shared>>)
      %add3A_235 = arith.constant 6 : i32
      %add3A_236 = arith.addi %mul3A_12, %add3A_235 : i32
      %dma_wait3A_237 = arith.constant 0 : i32
      %dma_wait3A_238 = tpu.memref_slice %arg7[%add3A_236, %dma_wait3A_237] : memref<250x40xi32, #tpu.memory_space<vmem>> -> memref<1x40xi32, #tpu.memory_space<vmem>>
      %dma_wait3A_239 = tpu.memref_squeeze %dma_wait3A_238 : memref<1x40xi32, #tpu.memory_space<vmem>> -> memref<40xi32, #tpu.memory_space<vmem>>
      %dma_wait3A_240 = arith.constant 0 : i32
      %dma_wait3A_241 = tpu.memref_slice %arg12[%dma_wait3A_240] : memref<10240xf32, #tpu.memory_space<vmem_shared>> -> memref<10240xf32, #tpu.memory_space<vmem_shared>>
      tpu.wait_indirect_dma semaphore(%arg10 : memref<!tpu.dma_semaphore, #tpu.memory_space<semaphore_mem>>) src(%arg9 : memref<40xf32, #tpu.memory_space<vmem>>) dst(%dma_wait3A_241 : memref<10240xf32, #tpu.memory_space<vmem_shared>>)
      %add3A_242 = arith.constant 6 : i32
      %add3A_243 = arith.addi %mul3A_12, %add3A_242 : i32
      %dma_wait3A_244 = arith.constant 0 : i32
      %dma_wait3A_245 = tpu.memref_slice %arg8[%add3A_243, %dma_wait3A_244] : memref<250x40xi32, #tpu.memory_space<vmem>> -> memref<1x40xi32, #tpu.memory_space<vmem>>
      %dma_wait3A_246 = tpu.memref_squeeze %dma_wait3A_245 : memref<1x40xi32, #tpu.memory_space<vmem>> -> memref<40xi32, #tpu.memory_space<vmem>>
      %dma_wait3A_247 = arith.constant 0 : i32
      %dma_wait3A_248 = tpu.memref_slice %arg13[%dma_wait3A_247] : memref<10240xf32, #tpu.memory_space<vmem_shared>> -> memref<10240xf32, #tpu.memory_space<vmem_shared>>
      tpu.wait_indirect_dma semaphore(%arg11 : memref<!tpu.dma_semaphore, #tpu.memory_space<semaphore_mem>>) src(%arg9 : memref<40xf32, #tpu.memory_space<vmem>>) dst(%dma_wait3A_248 : memref<10240xf32, #tpu.memory_space<vmem_shared>>)
      %add3A_249 = arith.constant 7 : i32
      %add3A_250 = arith.addi %mul3A_12, %add3A_249 : i32
      %dma_wait3A_251 = arith.constant 0 : i32
      %dma_wait3A_252 = tpu.memref_slice %arg7[%add3A_250, %dma_wait3A_251] : memref<250x40xi32, #tpu.memory_space<vmem>> -> memref<1x40xi32, #tpu.memory_space<vmem>>
      %dma_wait3A_253 = tpu.memref_squeeze %dma_wait3A_252 : memref<1x40xi32, #tpu.memory_space<vmem>> -> memref<40xi32, #tpu.memory_space<vmem>>
      %dma_wait3A_254 = arith.constant 0 : i32
      %dma_wait3A_255 = tpu.memref_slice %arg12[%dma_wait3A_254] : memref<10240xf32, #tpu.memory_space<vmem_shared>> -> memref<10240xf32, #tpu.memory_space<vmem_shared>>
      tpu.wait_indirect_dma semaphore(%arg10 : memref<!tpu.dma_semaphore, #tpu.memory_space<semaphore_mem>>) src(%arg9 : memref<40xf32, #tpu.memory_space<vmem>>) dst(%dma_wait3A_255 : memref<10240xf32, #tpu.memory_space<vmem_shared>>)
      %add3A_256 = arith.constant 7 : i32
      %add3A_257 = arith.addi %mul3A_12, %add3A_256 : i32
      %dma_wait3A_258 = arith.constant 0 : i32
      %dma_wait3A_259 = tpu.memref_slice %arg8[%add3A_257, %dma_wait3A_258] : memref<250x40xi32, #tpu.memory_space<vmem>> -> memref<1x40xi32, #tpu.memory_space<vmem>>
      %dma_wait3A_260 = tpu.memref_squeeze %dma_wait3A_259 : memref<1x40xi32, #tpu.memory_space<vmem>> -> memref<40xi32, #tpu.memory_space<vmem>>
      %dma_wait3A_261 = arith.constant 0 : i32
      %dma_wait3A_262 = tpu.memref_slice %arg13[%dma_wait3A_261] : memref<10240xf32, #tpu.memory_space<vmem_shared>> -> memref<10240xf32, #tpu.memory_space<vmem_shared>>
      tpu.wait_indirect_dma semaphore(%arg11 : memref<!tpu.dma_semaphore, #tpu.memory_space<semaphore_mem>>) src(%arg9 : memref<40xf32, #tpu.memory_space<vmem>>) dst(%dma_wait3A_262 : memref<10240xf32, #tpu.memory_space<vmem_shared>>)
      %add3A_263 = arith.constant 8 : i32
      %add3A_264 = arith.addi %mul3A_12, %add3A_263 : i32
      %dma_wait3A_265 = arith.constant 0 : i32
      %dma_wait3A_266 = tpu.memref_slice %arg7[%add3A_264, %dma_wait3A_265] : memref<250x40xi32, #tpu.memory_space<vmem>> -> memref<1x40xi32, #tpu.memory_space<vmem>>
      %dma_wait3A_267 = tpu.memref_squeeze %dma_wait3A_266 : memref<1x40xi32, #tpu.memory_space<vmem>> -> memref<40xi32, #tpu.memory_space<vmem>>
      %dma_wait3A_268 = arith.constant 0 : i32
      %dma_wait3A_269 = tpu.memref_slice %arg12[%dma_wait3A_268] : memref<10240xf32, #tpu.memory_space<vmem_shared>> -> memref<10240xf32, #tpu.memory_space<vmem_shared>>
      tpu.wait_indirect_dma semaphore(%arg10 : memref<!tpu.dma_semaphore, #tpu.memory_space<semaphore_mem>>) src(%arg9 : memref<40xf32, #tpu.memory_space<vmem>>) dst(%dma_wait3A_269 : memref<10240xf32, #tpu.memory_space<vmem_shared>>)
      %add3A_270 = arith.constant 8 : i32
      %add3A_271 = arith.addi %mul3A_12, %add3A_270 : i32
      %dma_wait3A_272 = arith.constant 0 : i32
      %dma_wait3A_273 = tpu.memref_slice %arg8[%add3A_271, %dma_wait3A_272] : memref<250x40xi32, #tpu.memory_space<vmem>> -> memref<1x40xi32, #tpu.memory_space<vmem>>
      %dma_wait3A_274 = tpu.memref_squeeze %dma_wait3A_273 : memref<1x40xi32, #tpu.memory_space<vmem>> -> memref<40xi32, #tpu.memory_space<vmem>>
      %dma_wait3A_275 = arith.constant 0 : i32
      %dma_wait3A_276 = tpu.memref_slice %arg13[%dma_wait3A_275] : memref<10240xf32, #tpu.memory_space<vmem_shared>> -> memref<10240xf32, #tpu.memory_space<vmem_shared>>
      tpu.wait_indirect_dma semaphore(%arg11 : memref<!tpu.dma_semaphore, #tpu.memory_space<semaphore_mem>>) src(%arg9 : memref<40xf32, #tpu.memory_space<vmem>>) dst(%dma_wait3A_276 : memref<10240xf32, #tpu.memory_space<vmem_shared>>)
      %add3A_277 = arith.constant 9 : i32
      %add3A_278 = arith.addi %mul3A_12, %add3A_277 : i32
      %dma_wait3A_279 = arith.constant 0 : i32
      %dma_wait3A_280 = tpu.memref_slice %arg7[%add3A_278, %dma_wait3A_279] : memref<250x40xi32, #tpu.memory_space<vmem>> -> memref<1x40xi32, #tpu.memory_space<vmem>>
      %dma_wait3A_281 = tpu.memref_squeeze %dma_wait3A_280 : memref<1x40xi32, #tpu.memory_space<vmem>> -> memref<40xi32, #tpu.memory_space<vmem>>
      %dma_wait3A_282 = arith.constant 0 : i32
      %dma_wait3A_283 = tpu.memref_slice %arg12[%dma_wait3A_282] : memref<10240xf32, #tpu.memory_space<vmem_shared>> -> memref<10240xf32, #tpu.memory_space<vmem_shared>>
      tpu.wait_indirect_dma semaphore(%arg10 : memref<!tpu.dma_semaphore, #tpu.memory_space<semaphore_mem>>) src(%arg9 : memref<40xf32, #tpu.memory_space<vmem>>) dst(%dma_wait3A_283 : memref<10240xf32, #tpu.memory_space<vmem_shared>>)
      %add3A_284 = arith.constant 9 : i32
      %add3A_285 = arith.addi %mul3A_12, %add3A_284 : i32
      %dma_wait3A_286 = arith.constant 0 : i32
      %dma_wait3A_287 = tpu.memref_slice %arg8[%add3A_285, %dma_wait3A_286] : memref<250x40xi32, #tpu.memory_space<vmem>> -> memref<1x40xi32, #tpu.memory_space<vmem>>
      %dma_wait3A_288 = tpu.memref_squeeze %dma_wait3A_287 : memref<1x40xi32, #tpu.memory_space<vmem>> -> memref<40xi32, #tpu.memory_space<vmem>>
      %dma_wait3A_289 = arith.constant 0 : i32
      %dma_wait3A_290 = tpu.memref_slice %arg13[%dma_wait3A_289] : memref<10240xf32, #tpu.memory_space<vmem_shared>> -> memref<10240xf32, #tpu.memory_space<vmem_shared>>
      tpu.wait_indirect_dma semaphore(%arg11 : memref<!tpu.dma_semaphore, #tpu.memory_space<semaphore_mem>>) src(%arg9 : memref<40xf32, #tpu.memory_space<vmem>>) dst(%dma_wait3A_290 : memref<10240xf32, #tpu.memory_space<vmem_shared>>)
    }
    %scan3A_7 = arith.constant 25 : i32
    %barrier3A_8 = arith.constant 0 : index
    tpu.barrier barrier_id(%barrier3A_8)
    %run_scoped3A = arith.constant 0 : i32
    "tpu.region"() ({
      %run_scoped3A_10 = tpu.sem_alloc : memref<!tpu.dma_semaphore, #tpu.memory_space<semaphore_mem>>
      %dma_start3A = tpu.memref_slice %arg6[%arg0, %run_scoped3A, %mul3A_2] : memref<2x2x10240xf32, #tpu.memory_space<hbm>> -> memref<1x1x640xf32, #tpu.memory_space<hbm>>
      %dma_start3A_11 = tpu.memref_squeeze %dma_start3A : memref<1x1x640xf32, #tpu.memory_space<hbm>> -> memref<640xf32, #tpu.memory_space<hbm>>
      %dma_start3A_12 = tpu.memref_slice %arg12[%mul3A_2] : memref<10240xf32, #tpu.memory_space<vmem_shared>> -> memref<640xf32, #tpu.memory_space<vmem_shared>>
      tpu.enqueue_dma source(%dma_start3A_12 : memref<640xf32, #tpu.memory_space<vmem_shared>>) target(%dma_start3A_11 : memref<640xf32, #tpu.memory_space<hbm>>) target_semaphore(%run_scoped3A_10 : memref<!tpu.dma_semaphore, #tpu.memory_space<semaphore_mem>>)
      %dma_wait3A = tpu.memref_slice %arg6[%arg0, %run_scoped3A, %mul3A_2] : memref<2x2x10240xf32, #tpu.memory_space<hbm>> -> memref<1x1x640xf32, #tpu.memory_space<hbm>>
      %dma_wait3A_13 = tpu.memref_squeeze %dma_wait3A : memref<1x1x640xf32, #tpu.memory_space<hbm>> -> memref<640xf32, #tpu.memory_space<hbm>>
      %dma_wait3A_14 = tpu.memref_slice %arg12[%mul3A_2] : memref<10240xf32, #tpu.memory_space<vmem_shared>> -> memref<640xf32, #tpu.memory_space<vmem_shared>>
      tpu.wait_dma2 semaphore(%run_scoped3A_10 : memref<!tpu.dma_semaphore, #tpu.memory_space<semaphore_mem>>) src(%dma_wait3A_14 : memref<640xf32, #tpu.memory_space<vmem_shared>>) dst(%dma_wait3A_13 : memref<640xf32, #tpu.memory_space<hbm>>)
      tpu.yield
    }) : () -> ()
    %run_scoped3A_9 = arith.constant 1 : i32
    "tpu.region"() ({
      %run_scoped3A_10 = tpu.sem_alloc : memref<!tpu.dma_semaphore, #tpu.memory_space<semaphore_mem>>
      %dma_start3A = tpu.memref_slice %arg6[%arg0, %run_scoped3A_9, %mul3A_2] : memref<2x2x10240xf32, #tpu.memory_space<hbm>> -> memref<1x1x640xf32, #tpu.memory_space<hbm>>
      %dma_start3A_11 = tpu.memref_squeeze %dma_start3A : memref<1x1x640xf32, #tpu.memory_space<hbm>> -> memref<640xf32, #tpu.memory_space<hbm>>
      %dma_start3A_12 = tpu.memref_slice %arg13[%mul3A_2] : memref<10240xf32, #tpu.memory_space<vmem_shared>> -> memref<640xf32, #tpu.memory_space<vmem_shared>>
      tpu.enqueue_dma source(%dma_start3A_12 : memref<640xf32, #tpu.memory_space<vmem_shared>>) target(%dma_start3A_11 : memref<640xf32, #tpu.memory_space<hbm>>) target_semaphore(%run_scoped3A_10 : memref<!tpu.dma_semaphore, #tpu.memory_space<semaphore_mem>>)
      %dma_wait3A = tpu.memref_slice %arg6[%arg0, %run_scoped3A_9, %mul3A_2] : memref<2x2x10240xf32, #tpu.memory_space<hbm>> -> memref<1x1x640xf32, #tpu.memory_space<hbm>>
      %dma_wait3A_13 = tpu.memref_squeeze %dma_wait3A : memref<1x1x640xf32, #tpu.memory_space<hbm>> -> memref<640xf32, #tpu.memory_space<hbm>>
      %dma_wait3A_14 = tpu.memref_slice %arg13[%mul3A_2] : memref<10240xf32, #tpu.memory_space<vmem_shared>> -> memref<640xf32, #tpu.memory_space<vmem_shared>>
      tpu.wait_dma2 semaphore(%run_scoped3A_10 : memref<!tpu.dma_semaphore, #tpu.memory_space<semaphore_mem>>) src(%dma_wait3A_14 : memref<640xf32, #tpu.memory_space<vmem_shared>>) dst(%dma_wait3A_13 : memref<640xf32, #tpu.memory_space<hbm>>)
      tpu.yield
    }) : () -> ()
    return
  }
}

module attributes {stable_mosaic.version = 14 : i64} {
  func.func @_mm1_body(%arg0: i32, %arg1: memref<1000x128xf32, #tpu.memory_space<vmem>>, %arg2: memref<128x128xf32, #tpu.memory_space<vmem>>, %arg3: memref<1000x128xf32, #tpu.memory_space<vmem>>) attributes {dimension_semantics = [#tpu.dimension_semantics<arbitrary>], iteration_bounds = array<i64: 10>, scalar_prefetch = 0 : i64, scratch_operands = 0 : i64, tpu.core_type = #tpu.core_type<tc>, window_params = [{transform_indices = @transform_0, window_bounds = array<i64: 1000, 128>}, {pipeline_mode = #tpu.pipeline_mode<synchronous>, transform_indices = @transform_1, window_bounds = array<i64: 128, 128>}, {transform_indices = @transform_2, window_bounds = array<i64: 1000, 128>}]} {
    %get3A = arith.constant 0 : index
    %get3A_0 = arith.constant 0 : index
    %get3A_1 = vector.load %arg1[%get3A, %get3A_0] : memref<1000x128xf32, #tpu.memory_space<vmem>>, vector<1000x128xf32>
    %get3A_2 = arith.constant 0 : index
    %get3A_3 = arith.constant 0 : index
    %get3A_4 = vector.load %arg2[%get3A_2, %get3A_3] : memref<128x128xf32, #tpu.memory_space<vmem>>, vector<128x128xf32>
    %dot_general3A = arith.constant dense<0.000000e+00> : vector<1000x128xf32>
    %dot_general3A_5 = tpu.matmul %get3A_1, %get3A_4, %dot_general3A {dimension_numbers = #tpu.dot_dimension_numbers<[1], [0], [0], [1], [0, 0, 1, 1], [], []>, transpose_lhs_hint = false} : vector<1000x128xf32>, vector<128x128xf32>, vector<1000x128xf32> -> vector<1000x128xf32>
    %swap3A = arith.constant 0 : index
    %swap3A_6 = arith.constant 0 : index
    %swap3A_7 = vector.load %arg3[%swap3A, %swap3A_6] : memref<1000x128xf32, #tpu.memory_space<vmem>>, vector<1000x128xf32>
    tpu.vector_store %arg3[%swap3A, %swap3A_6], %dot_general3A_5 {strides = array<i32>} : memref<1000x128xf32, #tpu.memory_space<vmem>>, vector<1000x128xf32>,
    return
  }
  func.func @transform_0(%arg0: i32) -> (i32, i32) {
    %c0_i32 = arith.constant 0 : i32
    %c0_i32_0 = arith.constant 0 : i32
    return %arg0, %c0_i32 : i32, i32
  }
  func.func @transform_1(%arg0: i32) -> (i32, i32) {
    %c0_i32 = arith.constant 0 : i32
    %c0_i32_0 = arith.constant 0 : i32
    %c0_i32_1 = arith.constant 0 : i32
    return %c0_i32, %c0_i32_0 : i32, i32
  }
  func.func @transform_2(%arg0: i32) -> (i32, i32) {
    %c0_i32 = arith.constant 0 : i32
    %c0_i32_0 = arith.constant 0 : i32
    return %arg0, %c0_i32 : i32, i32
  }
}

module attributes {stable_mosaic.version = 14 : i64} {
  func.func @_scale_body(%arg0: i32, %arg1: memref<2x2x1000x1xf32, #tpu.memory_space<vmem>>, %arg2: memref<1000x128xf32, #tpu.memory_space<vmem>>, %arg3: memref<1000x128xf32, #tpu.memory_space<vmem>>) attributes {dimension_semantics = [#tpu.dimension_semantics<arbitrary>], iteration_bounds = array<i64: 10>, scalar_prefetch = 0 : i64, scratch_operands = 0 : i64, tpu.core_type = #tpu.core_type<tc>, window_params = [{transform_indices = @transform_0, window_bounds = array<i64: 2, 2, 1000, 1>}, {transform_indices = @transform_1, window_bounds = array<i64: 1000, 128>}, {transform_indices = @transform_2, window_bounds = array<i64: 1000, 128>}]} {
    %get3A = arith.constant 0 : index
    %get3A_0 = arith.constant 0 : index
    %get3A_1 = arith.constant 0 : index
    %get3A_2 = arith.constant 0 : index
    %get3A_3 = vector.load %arg1[%get3A, %get3A_0, %get3A_1, %get3A_2] : memref<2x2x1000x1xf32, #tpu.memory_space<vmem>>, vector<1x1x1000x1xf32>
    %get3A_4 = vector.shape_cast %get3A_3 : vector<1x1x1000x1xf32> to vector<1000x1xf32>
    %get3A_5 = arith.constant 1 : index
    %get3A_6 = arith.constant 0 : index
    %get3A_7 = arith.constant 0 : index
    %get3A_8 = arith.constant 0 : index
    %get3A_9 = vector.load %arg1[%get3A_5, %get3A_6, %get3A_7, %get3A_8] : memref<2x2x1000x1xf32, #tpu.memory_space<vmem>>, vector<1x1x1000x1xf32>
    %get3A_10 = vector.shape_cast %get3A_9 : vector<1x1x1000x1xf32> to vector<1000x1xf32>
    %add3A = arith.addf %get3A_4, %get3A_10 : vector<1000x1xf32>
    %gt3A = arith.constant 0.000000e+00 : f32
    %gt3A_11 = vector.broadcast %gt3A : f32 to vector<1000x1xf32>
    %gt3A_12 = arith.cmpf ogt, %add3A, %gt3A_11 : vector<1000x1xf32>
    %rsqrt3A = math.rsqrt %add3A : vector<1000x1xf32>
    %jit3A = arith.constant 0.000000e+00 : f32
    %broadcast_in_dim3A = vector.broadcast %jit3A : f32 to vector<1000x1xf32>
    %select_n3A = arith.select %gt3A_12, %rsqrt3A, %broadcast_in_dim3A : vector<1000x1xi1>, vector<1000x1xf32>
    %get3A_13 = arith.constant 0 : index
    %get3A_14 = arith.constant 0 : index
    %get3A_15 = vector.load %arg2[%get3A_13, %get3A_14] : memref<1000x128xf32, #tpu.memory_space<vmem>>, vector<1000x128xf32>
    %mul3A = vector.broadcast %select_n3A : vector<1000x1xf32> to vector<1000x128xf32>
    %mul3A_16 = arith.mulf %get3A_15, %mul3A : vector<1000x128xf32>
    %swap3A = arith.constant 0 : index
    %swap3A_17 = arith.constant 0 : index
    %swap3A_18 = vector.load %arg3[%swap3A, %swap3A_17] : memref<1000x128xf32, #tpu.memory_space<vmem>>, vector<1000x128xf32>
    tpu.vector_store %arg3[%swap3A, %swap3A_17], %mul3A_16 {strides = array<i32>} : memref<1000x128xf32, #tpu.memory_space<vmem>>, vector<1000x128xf32>,
    return
  }
  func.func @transform_0(%arg0: i32) -> (i32, i32, i32, i32) {
    %c0_i32 = arith.constant 0 : i32
    %c0_i32_0 = arith.constant 0 : i32
    %c0_i32_1 = arith.constant 0 : i32
    %c0_i32_2 = arith.constant 0 : i32
    return %c0_i32, %c0_i32_0, %arg0, %c0_i32_1 : i32, i32, i32, i32
  }
  func.func @transform_1(%arg0: i32) -> (i32, i32) {
    %c0_i32 = arith.constant 0 : i32
    %c0_i32_0 = arith.constant 0 : i32
    return %arg0, %c0_i32 : i32, i32
  }
  func.func @transform_2(%arg0: i32) -> (i32, i32) {
    %c0_i32 = arith.constant 0 : i32
    %c0_i32_0 = arith.constant 0 : i32
    return %arg0, %c0_i32 : i32, i32
  }
}

module attributes {stable_mosaic.version = 14 : i64} {
  func.func @_mm2_body(%arg0: i32, %arg1: memref<2x2x1000x1xf32, #tpu.memory_space<vmem>>, %arg2: memref<2x1000x128xf32, #tpu.memory_space<vmem>>, %arg3: memref<1x128xf32, #tpu.memory_space<vmem>>, %arg4: memref<1000x128xf32, #tpu.memory_space<vmem>>) attributes {dimension_semantics = [#tpu.dimension_semantics<arbitrary>], iteration_bounds = array<i64: 10>, scalar_prefetch = 0 : i64, scratch_operands = 0 : i64, tpu.core_type = #tpu.core_type<tc>, window_params = [{transform_indices = @transform_0, window_bounds = array<i64: 2, 2, 1000, 1>}, {transform_indices = @transform_1, window_bounds = array<i64: 2, 1000, 128>}, {pipeline_mode = #tpu.pipeline_mode<synchronous>, transform_indices = @transform_2, window_bounds = array<i64: 1, 128>}, {transform_indices = @transform_3, window_bounds = array<i64: 1000, 128>}]} {
    %get3A = arith.constant 0 : index
    %get3A_0 = arith.constant 0 : index
    %get3A_1 = arith.constant 0 : index
    %get3A_2 = arith.constant 0 : index
    %get3A_3 = vector.load %arg1[%get3A, %get3A_0, %get3A_1, %get3A_2] : memref<2x2x1000x1xf32, #tpu.memory_space<vmem>>, vector<1x1x1000x1xf32>
    %get3A_4 = vector.shape_cast %get3A_3 : vector<1x1x1000x1xf32> to vector<1000x1xf32>
    %get3A_5 = arith.constant 1 : index
    %get3A_6 = arith.constant 0 : index
    %get3A_7 = arith.constant 0 : index
    %get3A_8 = arith.constant 0 : index
    %get3A_9 = vector.load %arg1[%get3A_5, %get3A_6, %get3A_7, %get3A_8] : memref<2x2x1000x1xf32, #tpu.memory_space<vmem>>, vector<1x1x1000x1xf32>
    %get3A_10 = vector.shape_cast %get3A_9 : vector<1x1x1000x1xf32> to vector<1000x1xf32>
    %add3A = arith.addf %get3A_4, %get3A_10 : vector<1000x1xf32>
    %gt3A = arith.constant 0.000000e+00 : f32
    %gt3A_11 = vector.broadcast %gt3A : f32 to vector<1000x1xf32>
    %gt3A_12 = arith.cmpf ogt, %add3A, %gt3A_11 : vector<1000x1xf32>
    %rsqrt3A = math.rsqrt %add3A : vector<1000x1xf32>
    %jit3A = arith.constant 0.000000e+00 : f32
    %broadcast_in_dim3A = vector.broadcast %jit3A : f32 to vector<1000x1xf32>
    %select_n3A = arith.select %gt3A_12, %rsqrt3A, %broadcast_in_dim3A : vector<1000x1xi1>, vector<1000x1xf32>
    %get3A_13 = arith.constant 0 : index
    %get3A_14 = arith.constant 1 : index
    %get3A_15 = arith.constant 0 : index
    %get3A_16 = arith.constant 0 : index
    %get3A_17 = vector.load %arg1[%get3A_13, %get3A_14, %get3A_15, %get3A_16] : memref<2x2x1000x1xf32, #tpu.memory_space<vmem>>, vector<1x1x1000x1xf32>
    %get3A_18 = vector.shape_cast %get3A_17 : vector<1x1x1000x1xf32> to vector<1000x1xf32>
    %get3A_19 = arith.constant 1 : index
    %get3A_20 = arith.constant 1 : index
    %get3A_21 = arith.constant 0 : index
    %get3A_22 = arith.constant 0 : index
    %get3A_23 = vector.load %arg1[%get3A_19, %get3A_20, %get3A_21, %get3A_22] : memref<2x2x1000x1xf32, #tpu.memory_space<vmem>>, vector<1x1x1000x1xf32>
    %get3A_24 = vector.shape_cast %get3A_23 : vector<1x1x1000x1xf32> to vector<1000x1xf32>
    %add3A_25 = arith.addf %get3A_18, %get3A_24 : vector<1000x1xf32>
    %gt3A_26 = arith.constant 0.000000e+00 : f32
    %gt3A_27 = vector.broadcast %gt3A_26 : f32 to vector<1000x1xf32>
    %gt3A_28 = arith.cmpf ogt, %add3A_25, %gt3A_27 : vector<1000x1xf32>
    %rsqrt3A_29 = math.rsqrt %add3A_25 : vector<1000x1xf32>
    %jit3A_30 = arith.constant 0.000000e+00 : f32
    %broadcast_in_dim3A_31 = vector.broadcast %jit3A_30 : f32 to vector<1000x1xf32>
    %select_n3A_32 = arith.select %gt3A_28, %rsqrt3A_29, %broadcast_in_dim3A_31 : vector<1000x1xi1>, vector<1000x1xf32>
    %get3A_33 = arith.constant 0 : index
    %get3A_34 = arith.constant 0 : index
    %get3A_35 = arith.constant 0 : index
    %get3A_36 = vector.load %arg2[%get3A_33, %get3A_34, %get3A_35] : memref<2x1000x128xf32, #tpu.memory_space<vmem>>, vector<1x1000x128xf32>
    %get3A_37 = vector.shape_cast %get3A_36 : vector<1x1000x128xf32> to vector<1000x128xf32>
    %get3A_38 = arith.constant 1 : index
    %get3A_39 = arith.constant 0 : index
    %get3A_40 = arith.constant 0 : index
    %get3A_41 = vector.load %arg2[%get3A_38, %get3A_39, %get3A_40] : memref<2x1000x128xf32, #tpu.memory_space<vmem>>, vector<1x1000x128xf32>
    %get3A_42 = vector.shape_cast %get3A_41 : vector<1x1000x128xf32> to vector<1000x128xf32>
    %add3A_43 = arith.addf %get3A_37, %get3A_42 : vector<1000x128xf32>
    %mul3A = vector.broadcast %select_n3A_32 : vector<1000x1xf32> to vector<1000x128xf32>
    %mul3A_44 = arith.mulf %add3A_43, %mul3A : vector<1000x128xf32>
    %get3A_45 = arith.constant 0 : index
    %get3A_46 = arith.constant 0 : index
    %get3A_47 = vector.load %arg3[%get3A_45, %get3A_46] : memref<1x128xf32, #tpu.memory_space<vmem>>, vector<1x128xf32>
    %add3A_48 = vector.broadcast %get3A_47 : vector<1x128xf32> to vector<1000x128xf32>
    %add3A_49 = arith.addf %mul3A_44, %add3A_48 : vector<1000x128xf32>
    %max3A = arith.constant 0.000000e+00 : f32
    %max3A_50 = vector.broadcast %max3A : f32 to vector<1000x128xf32>
    %max3A_51 = arith.maximumf %add3A_49, %max3A_50 : vector<1000x128xf32>
    %mul3A_52 = vector.broadcast %select_n3A : vector<1000x1xf32> to vector<1000x128xf32>
    %mul3A_53 = arith.mulf %max3A_51, %mul3A_52 : vector<1000x128xf32>
    %swap3A = arith.constant 0 : index
    %swap3A_54 = arith.constant 0 : index
    %swap3A_55 = vector.load %arg4[%swap3A, %swap3A_54] : memref<1000x128xf32, #tpu.memory_space<vmem>>, vector<1000x128xf32>
    tpu.vector_store %arg4[%swap3A, %swap3A_54], %mul3A_53 {strides = array<i32>} : memref<1000x128xf32, #tpu.memory_space<vmem>>, vector<1000x128xf32>,
    return
  }
  func.func @transform_0(%arg0: i32) -> (i32, i32, i32, i32) {
    %c0_i32 = arith.constant 0 : i32
    %c0_i32_0 = arith.constant 0 : i32
    %c0_i32_1 = arith.constant 0 : i32
    %c0_i32_2 = arith.constant 0 : i32
    return %c0_i32, %c0_i32_0, %arg0, %c0_i32_1 : i32, i32, i32, i32
  }
  func.func @transform_1(%arg0: i32) -> (i32, i32, i32) {
    %c0_i32 = arith.constant 0 : i32
    %c0_i32_0 = arith.constant 0 : i32
    %c0_i32_1 = arith.constant 0 : i32
    return %c0_i32, %arg0, %c0_i32_0 : i32, i32, i32
  }
  func.func @transform_2(%arg0: i32) -> (i32, i32) {
    %c0_i32 = arith.constant 0 : i32
    %c0_i32_0 = arith.constant 0 : i32
    %c0_i32_1 = arith.constant 0 : i32
    return %c0_i32, %c0_i32_0 : i32, i32
  }
  func.func @transform_3(%arg0: i32) -> (i32, i32) {
    %c0_i32 = arith.constant 0 : i32
    %c0_i32_0 = arith.constant 0 : i32
    return %arg0, %c0_i32 : i32, i32
  }
}

module attributes {stable_mosaic.version = 14 : i64} {
  func.func @_out_body(%arg0: i32, %arg1: memref<2x2x1000x1xf32, #tpu.memory_space<vmem>>, %arg2: memref<2x1000x128xf32, #tpu.memory_space<vmem>>, %arg3: memref<128x64xf32, #tpu.memory_space<vmem>>, %arg4: memref<1x64xf32, #tpu.memory_space<vmem>>, %arg5: memref<1000x64xf32, #tpu.memory_space<vmem>>) attributes {dimension_semantics = [#tpu.dimension_semantics<arbitrary>], iteration_bounds = array<i64: 10>, scalar_prefetch = 0 : i64, scratch_operands = 0 : i64, tpu.core_type = #tpu.core_type<tc>, window_params = [{transform_indices = @transform_0, window_bounds = array<i64: 2, 2, 1000, 1>}, {transform_indices = @transform_1, window_bounds = array<i64: 2, 1000, 128>}, {pipeline_mode = #tpu.pipeline_mode<synchronous>, transform_indices = @transform_2, window_bounds = array<i64: 128, 64>}, {pipeline_mode = #tpu.pipeline_mode<synchronous>, transform_indices = @transform_3, window_bounds = array<i64: 1, 64>}, {transform_indices = @transform_4, window_bounds = array<i64: 1000, 64>}]} {
    %get3A = arith.constant 0 : index
    %get3A_0 = arith.constant 1 : index
    %get3A_1 = arith.constant 0 : index
    %get3A_2 = arith.constant 0 : index
    %get3A_3 = vector.load %arg1[%get3A, %get3A_0, %get3A_1, %get3A_2] : memref<2x2x1000x1xf32, #tpu.memory_space<vmem>>, vector<1x1x1000x1xf32>
    %get3A_4 = vector.shape_cast %get3A_3 : vector<1x1x1000x1xf32> to vector<1000x1xf32>
    %get3A_5 = arith.constant 1 : index
    %get3A_6 = arith.constant 1 : index
    %get3A_7 = arith.constant 0 : index
    %get3A_8 = arith.constant 0 : index
    %get3A_9 = vector.load %arg1[%get3A_5, %get3A_6, %get3A_7, %get3A_8] : memref<2x2x1000x1xf32, #tpu.memory_space<vmem>>, vector<1x1x1000x1xf32>
    %get3A_10 = vector.shape_cast %get3A_9 : vector<1x1x1000x1xf32> to vector<1000x1xf32>
    %add3A = arith.addf %get3A_4, %get3A_10 : vector<1000x1xf32>
    %gt3A = arith.constant 0.000000e+00 : f32
    %gt3A_11 = vector.broadcast %gt3A : f32 to vector<1000x1xf32>
    %gt3A_12 = arith.cmpf ogt, %add3A, %gt3A_11 : vector<1000x1xf32>
    %rsqrt3A = math.rsqrt %add3A : vector<1000x1xf32>
    %jit3A = arith.constant 0.000000e+00 : f32
    %broadcast_in_dim3A = vector.broadcast %jit3A : f32 to vector<1000x1xf32>
    %select_n3A = arith.select %gt3A_12, %rsqrt3A, %broadcast_in_dim3A : vector<1000x1xi1>, vector<1000x1xf32>
    %get3A_13 = arith.constant 0 : index
    %get3A_14 = arith.constant 0 : index
    %get3A_15 = arith.constant 0 : index
    %get3A_16 = vector.load %arg2[%get3A_13, %get3A_14, %get3A_15] : memref<2x1000x128xf32, #tpu.memory_space<vmem>>, vector<1x1000x128xf32>
    %get3A_17 = vector.shape_cast %get3A_16 : vector<1x1000x128xf32> to vector<1000x128xf32>
    %get3A_18 = arith.constant 1 : index
    %get3A_19 = arith.constant 0 : index
    %get3A_20 = arith.constant 0 : index
    %get3A_21 = vector.load %arg2[%get3A_18, %get3A_19, %get3A_20] : memref<2x1000x128xf32, #tpu.memory_space<vmem>>, vector<1x1000x128xf32>
    %get3A_22 = vector.shape_cast %get3A_21 : vector<1x1000x128xf32> to vector<1000x128xf32>
    %add3A_23 = arith.addf %get3A_17, %get3A_22 : vector<1000x128xf32>
    %mul3A = vector.broadcast %select_n3A : vector<1000x1xf32> to vector<1000x128xf32>
    %mul3A_24 = arith.mulf %add3A_23, %mul3A : vector<1000x128xf32>
    %get3A_25 = arith.constant 0 : index
    %get3A_26 = arith.constant 0 : index
    %get3A_27 = vector.load %arg3[%get3A_25, %get3A_26] : memref<128x64xf32, #tpu.memory_space<vmem>>, vector<128x64xf32>
    %dot_general3A = arith.constant dense<0.000000e+00> : vector<1000x64xf32>
    %dot_general3A_28 = tpu.matmul %mul3A_24, %get3A_27, %dot_general3A {dimension_numbers = #tpu.dot_dimension_numbers<[1], [0], [0], [1], [0, 0, 1, 1], [], []>, transpose_lhs_hint = false} : vector<1000x128xf32>, vector<128x64xf32>, vector<1000x64xf32> -> vector<1000x64xf32>
    %get3A_29 = arith.constant 0 : index
    %get3A_30 = arith.constant 0 : index
    %get3A_31 = vector.load %arg4[%get3A_29, %get3A_30] : memref<1x64xf32, #tpu.memory_space<vmem>>, vector<1x64xf32>
    %add3A_32 = vector.broadcast %get3A_31 : vector<1x64xf32> to vector<1000x64xf32>
    %add3A_33 = arith.addf %dot_general3A_28, %add3A_32 : vector<1000x64xf32>
    %reduce_max3A = arith.constant dense<0xFF800000> : vector<1000xf32>
    %reduce_max3A_34 = vector.multi_reduction <maximumf>, %add3A_33, %reduce_max3A [1] : vector<1000x64xf32> to vector<1000xf32>
    %broadcast_in_dim3A_35 = vector.shape_cast %reduce_max3A_34 : vector<1000xf32> to vector<1000x1xf32>
    %sub3A = vector.broadcast %broadcast_in_dim3A_35 : vector<1000x1xf32> to vector<1000x64xf32>
    %sub3A_36 = arith.subf %add3A_33, %sub3A : vector<1000x64xf32>
    %exp3A = math.exp %sub3A_36 : vector<1000x64xf32>
    %reduce_sum3A = arith.constant dense<0.000000e+00> : vector<1000xf32>
    %reduce_sum3A_37 = vector.multi_reduction <add>, %exp3A, %reduce_sum3A [1] : vector<1000x64xf32> to vector<1000xf32>
    %broadcast_in_dim3A_38 = vector.shape_cast %reduce_sum3A_37 : vector<1000xf32> to vector<1000x1xf32>
    %div3A = vector.broadcast %broadcast_in_dim3A_38 : vector<1000x1xf32> to vector<1000x64xf32>
    %div3A_39 = arith.divf %exp3A, %div3A : vector<1000x64xf32>
    %swap3A = arith.constant 0 : index
    %swap3A_40 = arith.constant 0 : index
    %swap3A_41 = vector.load %arg5[%swap3A, %swap3A_40] : memref<1000x64xf32, #tpu.memory_space<vmem>>, vector<1000x64xf32>
    tpu.vector_store %arg5[%swap3A, %swap3A_40], %div3A_39 {strides = array<i32>} : memref<1000x64xf32, #tpu.memory_space<vmem>>, vector<1000x64xf32>,
    return
  }
  func.func @transform_0(%arg0: i32) -> (i32, i32, i32, i32) {
    %c0_i32 = arith.constant 0 : i32
    %c0_i32_0 = arith.constant 0 : i32
    %c0_i32_1 = arith.constant 0 : i32
    %c0_i32_2 = arith.constant 0 : i32
    return %c0_i32, %c0_i32_0, %arg0, %c0_i32_1 : i32, i32, i32, i32
  }
  func.func @transform_1(%arg0: i32) -> (i32, i32, i32) {
    %c0_i32 = arith.constant 0 : i32
    %c0_i32_0 = arith.constant 0 : i32
    %c0_i32_1 = arith.constant 0 : i32
    return %c0_i32, %arg0, %c0_i32_0 : i32, i32, i32
  }
  func.func @transform_2(%arg0: i32) -> (i32, i32) {
    %c0_i32 = arith.constant 0 : i32
    %c0_i32_0 = arith.constant 0 : i32
    %c0_i32_1 = arith.constant 0 : i32
    return %c0_i32, %c0_i32_0 : i32, i32
  }
  func.func @transform_3(%arg0: i32) -> (i32, i32) {
    %c0_i32 = arith.constant 0 : i32
    %c0_i32_0 = arith.constant 0 : i32
    %c0_i32_1 = arith.constant 0 : i32
    return %c0_i32, %c0_i32_0 : i32, i32
  }
  func.func @transform_4(%arg0: i32) -> (i32, i32) {
    %c0_i32 = arith.constant 0 : i32
    %c0_i32_0 = arith.constant 0 : i32
    return %arg0, %c0_i32 : i32, i32
  }
}

</mosaic_0001>

<sc_bundles>
// kernel: kernel.12.cloned.1.call-start
scs
__scs_entry_jumppad:
0x0: {  	(pc) =	sbr.rel $0x88, $3  }
0x1: {  	(tag) =	ssettag $0x0;
	lr =	simm.s32 $0x1  }
0x2: {  	[smem:$0x3F9B] =	sst lr;
	_ =	strace $0xD0000000  }
0x3: {  	_ = 	snop  }
0x4: {  	_ = 	snop  }
0x5: {  	_ = 	snop  }
0x6: {  	_ = 	snop  }
0x7: {  	_ = 	snop  }
__scs_overlays_trampoline_lowered:
0x8: {  	[smem:$0x3FAA] =	sst s0  }
0x9: {  	[smem:$0x3FAB] =	sst s1  }
0xa: {  	[smem:$0x3FAC] =	sst s2  }
0xb: {  	[smem:$0x3FAD] =	sst s3  }
0xc: {  	[smem:$0x3FAE] =	sst s4  }
0xd: {  	[smem:$0x3FAF] =	sst s5  }
0xe: {  	[smem:$0x3FB0] =	sst s6  }
0xf: {  	[smem:$0x3FB1] =	sst s7  }
0x10: {  	[smem:$0x3FB2] =	sst s8  }
0x11: {  	[smem:$0x3FB3] =	sst s9;
	s0 =	simm.s32 @!p0 $0x0  }
0x12: {  	s1 =	sld [smem:$0x3F99];
	s0 =	simm.s32 @p0 $0x1  }
0x13: {  	[smem:$0x3FB4] =	sst s0;
	s0 =	simm.s32 @!p1 $0x0  }
0x14: {  	s2 =	sld [smem:$0x3F98];
	s0 =	simm.s32 @p1 $0x1  }
0x15: {  	[smem:$0x3FB5] =	sst s0;
	s0 =	simm.s32 @!p2 $0x0  }
0x16: {  	s3 =	sld [smem:$0x3FDB];
	s0 =	simm.s32 @p2 $0x1  }
0x17: {  	s4 =	simm.s32 $0x1BF5;
	[smem:$0x3FB7] =	sst s0  }
0x18: {  	s0 =	sld [smem:$0x3F9A];
	_ =	swait.ge [sflag:s4], $0x0  }
0x19: {  	s7 =	sld [smem:$0x3F9B]  }
0x1a: {  	s8 =	sadd.s32 $0xFFFFE003, lr  }
0x1b: {  	s9 =	sadd.s32 $0xFFFFFEF7, lr;
	s5 =	simm.s32 $0xFFFFFFFF;
	p2 =	slt.u32 s8, $0xFFFFF086  }
0x1c: {  	p1 =	slt.u32 s9, $0xF7A;
	s5 =	simm.s32 @!p2 $0x0  }
0x1d: {  	s5 =	simm.s32 @p1 $0x1;
	p0 =	seq.s32 s7, s2  }
0x1e: {  	s7 =	smul.u32 @!p0 $0xF7A, s2;
	p2 =	seq.s32 @!p0 s5, $0x0  }
0x1f: {  	s9 =	smul.u32 $0xF7A, s1;
	s8 =	simm.s32 @!p0 $0x1BF5;
	p2 =	por !p2, p0  }
0x20: {  	[sflag:s8] =	ssyncset.s32 @!p0 $0xFFFFF086;
	s6 =	sadd.s32 @!p0 s3, s7;
	s7 =	simm.s32 @!p0 $0x108  }
0x21: {  	s3 =	sadd.s32 s3, s9;
	s6 =	sadd.s32 @!p0 $0x88, s6;
	s7 =	simm.s32 @p2 $0x1082  }
0x22: {  	[simem:s7], [sflag:s8] =	dma.local @!p0 [hbm:s6], $0xF7A  }
0x23: {  	s9 =	sor.u32 $0xD0000000, s2;
	s6 =	simm.s32 $0x108;
	_ =	swait.ge @!p0 [sflag:s8], $0x0  }
0x24: {  	s3 =	sadd.s32 $0x88, s3;
	s6 =	simm.s32 @!p1 $0x1082;
	[sflag:s4] =	ssyncset.s32 $0xFFFFF086  }
0x25: {  	[simem:s6], [sflag:s4] =	dma.local [hbm:s3], $0xF7A  }
0x26: {  	[smem:$0x3F9B] =	sst s1;
	(tag) =	ssettag s2;
	_ =	strace s9  }
0x27: {  	s1 =	sld [smem:$0x3FAB]  }
0x28: {  	s2 =	sld [smem:$0x3FAC]  }
0x29: {  	s4 =	sld [smem:$0x3FAE]  }
0x2a: {  	p0 =	seq.s32 s5, $0x0;
	s5 =	sld [smem:$0x3FAF]  }
0x2b: {  	s6 =	sld [smem:$0x3FB0]  }
0x2c: {  	s7 =	sld [smem:$0x3FB1]  }
0x2d: {  	s3 =	simm.s32 $0x108;
	s8 =	sld [smem:$0x3FB2]  }
0x2e: {  	s3 =	simm.s32 @!p0 $0x1082;
	s9 =	sld [smem:$0x3FB3]  }
0x2f: {  	lr =	sadd.s32 s0, s3;
	s0 =	sld [smem:$0x3FAA]  }
0x30: {  	s3 =	sld [smem:$0x3FAD]  }
0x31: {  	[smem:$0x3FB6] =	sst s10  }
0x32: {  	s10 =	sld [smem:$0x3FB4];
	_ =	sdelay $0x3  }
0x33: {  	p0 =	seq.s32 s10, $0x1;
	s10 =	sld [smem:$0x3FB6];
	_ =	sdelay $0x3  }
0x34: {  	[smem:$0x3FB6] =	sst s10  }
0x35: {  	s10 =	sld [smem:$0x3FB5];
	_ =	sdelay $0x3  }
0x36: {  	p1 =	seq.s32 s10, $0x1;
	s10 =	sld [smem:$0x3FB6];
	_ =	sdelay $0x3  }
0x37: {  	[smem:$0x3FB6] =	sst s10  }
0x38: {  	s10 =	sld [smem:$0x3FB7]  }
0x39: {  	_ = 	snop;
	(pc) =	sbr.ind lr, $3  }
0x3a: {  	_ = 	snop  }
0x3b: {  	_ = 	snop  }
0x3c: {  	p2 =	seq.s32 s10, $0x1;
	s10 =	sld [smem:$0x3FB6]  }
0x3d: {  	_ =	shalt  }
0x3e: {  	_ =	shalt  }
0x3f: {  	_ =	shalt  }
0x40: {  	_ =	shalt  }
0x41: {  	_ =	shalt  }
0x42: {  	_ =	shalt  }
0x43: {  	_ =	shalt  }
0x44: {  	_ =	shalt  }
0x45: {  	_ =	shalt  }
0x46: {  	_ =	shalt  }
0x47: {  	_ =	shalt  }
0x48: {  	_ =	shalt  }
0x49: {  	_ =	shalt  }
0x4a: {  	_ =	shalt  }
0x4b: {  	_ =	shalt  }
0x4c: {  	_ =	shalt  }
0x4d: {  	_ =	shalt  }
0x4e: {  	_ =	shalt  }
0x4f: {  	_ =	shalt  }
0x50: {  	_ =	shalt  }
0x51: {  	_ =	shalt  }
0x52: {  	_ =	shalt  }
0x53: {  	_ =	shalt  }
0x54: {  	_ =	shalt  }
0x55: {  	_ =	shalt  }
0x56: {  	_ =	shalt  }
0x57: {  	_ =	shalt  }
0x58: {  	_ =	shalt  }
0x59: {  	_ =	shalt  }
0x5a: {  	_ =	shalt  }
0x5b: {  	_ =	shalt  }
0x5c: {  	_ =	shalt  }
0x5d: {  	_ =	shalt  }
0x5e: {  	_ =	shalt  }
0x5f: {  	_ =	shalt  }
0x60: {  	_ =	shalt  }
0x61: {  	_ =	shalt  }
0x62: {  	_ =	shalt  }
0x63: {  	_ =	shalt  }
0x64: {  	_ =	shalt  }
0x65: {  	_ =	shalt  }
0x66: {  	_ =	shalt  }
0x67: {  	_ =	shalt  }
0x68: {  	_ =	shalt  }
0x69: {  	_ =	shalt  }
0x6a: {  	_ =	shalt  }
0x6b: {  	_ =	shalt  }
0x6c: {  	_ =	shalt  }
0x6d: {  	_ =	shalt  }
0x6e: {  	_ =	shalt  }
0x6f: {  	_ =	shalt  }
0x70: {  	_ =	shalt  }
0x71: {  	_ =	shalt  }
0x72: {  	_ =	shalt  }
0x73: {  	_ =	shalt  }
0x74: {  	_ =	shalt  }
0x75: {  	_ =	shalt  }
0x76: {  	_ =	shalt  }
0x77: {  	_ =	shalt  }
0x78: {  	_ =	shalt  }
0x79: {  	_ =	shalt  }
0x7a: {  	_ =	shalt  }
0x7b: {  	_ =	shalt  }
0x7c: {  	_ =	shalt  }
0x7d: {  	_ =	shalt  }
0x7e: {  	_ =	shalt  }
0x7f: {  	_ =	shalt  }
0x80: {  	_ =	shalt  }
0x81: {  	_ =	shalt  }
0x82: {  	_ =	shalt  }
0x83: {  	_ =	shalt  }
0x84: {  	_ =	shalt  }
0x85: {  	_ =	shalt  }
0x86: {  	_ =	shalt  }
0x87: {  	_ =	shalt  }
.Lfunc_end0:
.L_simem_size_0:
called_computation.1_lowered:
.L_overlay_start_0:
0x88: {  	s2 =	sld [smem:$0x3FD9]  }
0x89: {  	s3 =	sld [smem:$0x3FFE];
	_ =	sdelay $0x1  }
0x8a: {  	s1 =	srdreg.scid  }
0x8b: {  	s0 =	sand.u32 $0x1, s1  }
0x8c: {  	s17 =	sshll.u32 s0, $0xA;
	s2 =	sadd.s32 s3, s2  }
0x8d: {  	s2 =	sadd.s32 s2, s17  }
0x8e: {  	[smem:$0x3FC2] =	sst s2  }
0x8f: {  	_ = 	snop  }
0x90: {  	s2 =	sld [smem:$0x3FD0];
	(tm) =	ssettm $0x1  }
0x91: {  	s18 =	sld [smem:$0x3FFB];
	_ =	sdelay $0x3  }
0x92: {  	_ =	strace s18  }
0x93: {  	s3 =	sld [smem:$0x3FFC];
	_ =	sdelay $0x3  }
0x94: {  	_ =	strace s3  }
0x95: {  	s3 =	sld [smem:$0x3FFD];
	_ =	sdelay $0x3  }
0x96: {  	_ =	strace s3  }
0x97: {  	_ =	strace $0x8FFFFFFF  }
0x98: {  	s19 =	sld [smem:$0x3FDB];
	_ =	sdelay $0x1  }
0x99: {  	s4 =	simm.s32 $_scs_section_size  }
0x9a: {  	s5 =	simm.s32 $_size__tile_overlayer_lowered;
	s6 =	simm.s32 $_tile_overlayer_lowered  }
0x9b: {  	s22 =	simm.s32 $0x1BFF;
	s21 =	sshll.u32 s6, $0x1;
	s3 =	sadd.s32 s4, s19  }
0x9c: {  	s7 =	simm.s32 $0x0;
	s20 =	sshll.u32 s5, $0x1;
	s5 =	sadd.s32 s21, s3  }
0x9d: {  	[timem:s7], [sflag:s22] =	dma.local [hbm:s5], s20  }
0x9e: {  	_ =	swait.ge [sflag:s22], s20  }
0x9f: {  	s4 =	ssub.s32 $0x0, s20;
	[sflag:s22] =	ssyncset.done $0x0  }
0xa0: {  	[sflag:s22] =	ssyncadd.s32 s4;
	_ =	sdelay $0x1  }
0xa1: {  	s23 =	simm.s32 $0x1B8B  }
0xa2: {  	_ =	swait.ge [sflag:s23], $0x1  }
0xa3: {  	[sflag:s23] =	ssyncset.done $0x0  }
0xa4: {  	s25 =	simm.s32 $0x1B8E;
	s24 =	sld [smem:$0x3FFE];
	[sflag:s23] =	ssyncadd.s32 $0xFFFFFFFF  }
0xa5: {  	s26 =	simm.s32 $execute0_lowered;
	[smem:$0x3FD2] =	sst s25  }
0xa6: {  	s5 =	sshll.u32 s26, $0x1;
	_ =	strace $0x80000049;
	[dreg:$0x1] =	wrdreg $0xFFFFFFFF  }
0xa7: {  	s28 =	simm.s32 $_size_execute0_lowered;
	s3 =	sadd.s32 s3, s5;
	[dreg:$0x0] =	wrdreg $0x0  }
0xa8: {  	s5 =	sshll.u32 s28, $0x1;
	[dreg:$0x2] =	wrdreg s3  }
0xa9: {  	[dreg:$0x3] =	wrdreg s5  }
0xaa: {  	[dreg:$0x4] =	wrdreg $0xC0  }
0xab: {  	_ =	task [dreg:s7], $0x5FFFF  }
0xac: {  	[dreg:$0x1] =	wrdreg $0xFFFFFFFF  }
0xad: {  	[dreg:$0x0] =	wrdreg $0x60  }
0xae: {  	[dreg:$0x2] =	wrdreg s24  }
0xaf: {  	[dreg:$0x3] =	wrdreg s2  }
0xb0: {  	[dreg:$0x4] =	wrdreg $0x29000  }
0xb1: {  	[dreg:$0x5] =	wrdreg $0x9  }
0xb2: {  	_ =	task.clear_ibuf [dreg:s7], $0x6FFFF;
	_ =	strace $0x90000049  }
0xb3: {  	s29 =	simm.s32 $0x9;
	_ =	strace $0x8000004B  }
0xb4: {  	_ =	swait.ge [sflag:s29], $0x1  }
0xb5: {  	[sflag:s29] =	ssyncadd.s32 $0xFFFFFFFF  }
0xb6: {  	_ =	strace $0x9000004B  }
0xb7: {  	_ =	sfence  }
0xb8: {  	s30 =	sld [smem:$0x0];
	_ =	sdelay $0x2  }
0xb9: {  	s31 =	sshll.u32 s1, $0xD;
	s1 =	sshrl.u32 s1, $0x2  }
0xba: {  	s3 =	sand.u32 $0x4000, s31;
	s1 =	sadd.s32 s1, s30  }
0xbb: {  	s0 =	sor.u32 s3, s0;
	s1 =	sshll.u32 s1, $0x11  }
0xbc: {  	s0 =	sor.u32 s1, s0  }
0xbd: {  	s0 =	sadd.s32 $0x8F2B, s0  }
0xbe: {  	[sflag:s0] =	ssyncadd.remote.s32 $0x1  }
0xbf: {  	_ =	sfence.sel $0xFFFF  }
0xc0: {  	[dreg:$0x0] =	wrdreg $0xFFFFFFFF;
	(pc) =	sbr.abs _section_cstart, $3  }
0xc1: {  	[dreg:$0x1] =	wrdreg $0xFFFFFFFF  }
0xc2: {  	_ =	task.clear_ibuf [dreg:s7], $0x2FFFF;
	_ =	strace $0x9FFFFFFF  }
0xc3: {  	(tm) =	ssettm $0x7FFFFFFF  }
tec
execute0_lowered:
.L_overlay_start_1:
0x0: {  	(tag) =	ssettag $0x1  }
0x1: {  	s5 =	rddreg [dreg:$0x0]  }
0x2: {  	s0 =	srdreg.scid;
	s10 =	rddreg [dreg:$0x1]  }
0x3: {  	s2 =	rddreg [dreg:$0x2];
	s6 =	sand.u32 $0x1, s0  }
0x4: {  	s0 =	stileid.u32;
	s4 =	smul.u32 $0x27100, s6  }
0x5: {  	s1 =	rddreg [dreg:$0x3];
	s3 =	simm.s32 $0x0;
	s7 =	smul.u32 $0x2710, s0  }
0x6: {  	s15 =	simm.s32 $0x100;
	s16 =	simm.s32 $0x1;
	s28 =	smul.u32 $0x14000, s0  }
0x7: {  	s17 =	simm.s32 $0x0;
	[smem:$0x7FF] =	sst s3;
	s8 =	smul.u32 $0x140000, s6  }
0x8: {  	_ =	strace $0x8000004A;
	s6 =	ssub.s32 $0x2, s6;
	s29 =	smul.u32 $0x50000, s0  }
0x9: {  	s31 =	sshll.u32 s0, $0x6;
	s13 =	sshrl.u32 s6, $0x1;
	s4 =	sadd.s32 s7, s4  }
0xa: {  	s12 =	sshrl.u32 s28, $0x3;
	s7 =	sadd.s32 s28, s8;
	s13 =	ssub.s32 s6, s13  }
0xb: {  	s30 =	sshrl.u32 s29, $0x2;
	s6 =	sor.u32 $0x1C02, s31;
	s11 =	sshrl.u32 s4, $0x3  }
0xc: {  	s4 =	sadd.s32 $0xBE00, s5;
	s12 =	sadd.s32 s12, s5;
	s7 =	sshrl.u32 s7, $0x3  }
0xd: {  	s14 =	sadd.s32 s30, s2;
	s8 =	smax.u32 s13, $0x1;
	s13 =	simm.s32 $0x80  }
0xe: {  	s9 =	sadd.s32 s11, s5;
	s7 =	sadd.s32 s7, s5;
	s5 =	sadd.s32 $0xEDA00, s12  }
0xf: {  	s10 =	sadd.s32 s11, s10;
	s11 =	sshrl.u32 s14, $0x3;
	s12 =	simm.s32 $0x2  }
0x10: {  	s14 =	simm.s32 $0x50;
	s7 =	sadd.s32 $0x115A00, s7;
	s9 =	sadd.s32 $0x2000, s9  }
.LBB2_1:
0x11: {  	[spmem:s11], [sflag:s6] =	dma.local [hbm:s5], $0x2800  }
0x12: {  	_ =	swait.ge [sflag:s12], $0x2800  }
0x13: {  	[sflag:s12] =	ssyncset.done $0x0  }
0x14: {  	[sflag:s12] =	ssyncadd.s32 $0xFFFFD800  }
0x15: {  	s18 =	sadd.s32 $0x0, s10;
	[bflag:$0x0] =	sbarrier.arrive $0xFFFF  }
0x16: {  	[tilespmem:s3], [sflag:$0x2] =	stream.linear.gather [hbm4b:s18+s3], $0x50, $0x38;
	[tilespmem:$0x16900] =	vst v63  }
0x17: {  	_ =	swait.ge [sflag:s12], $0x50  }
0x18: {  	[sflag:s12] =	ssyncset.done $0x0  }
0x19: {  	s31 =	sadd.s32 $0x0, s9;
	[sflag:s12] =	ssyncadd.s32 $0xFFFFFFB0  }
0x1a: {  	[tilespmem:s13], [sflag:$0x2] =	stream.linear.gather [hbm4b:s31+s3], $0x50, $0x38;
	[tilespmem:$0x16900] =	vst v63  }
0x1b: {  	_ =	swait.ge [sflag:s12], $0x50  }
0x1c: {  	[sflag:s12] =	ssyncset.done $0x0  }
0x1d: {  	[sflag:s12] =	ssyncadd.s32 $0xFFFFFFB0  }
0x1e: {  	[tilespmem:s15], [sflag:$0x1] =	stream.indirect.gather [hbm4b:s4+s14], $0x80, s3, s14, $0xb8;
	[tilespmem:$0x16900] =	vst v63  }
0x1f: {  	_ =	swait.ge [sflag:s16], $0x2800  }
0x20: {  	[sflag:s16] =	ssyncset.done $0x0  }
0x21: {  	[sflag:s16] =	ssyncadd.s32 $0xFFFFD800  }
0x22: {  	[spmem:s2] =	stream.indirect.scatter.add.f32 [tilespmem:s15], [sflag:$0x2], $0x80, s13, s14, $0xb8;
	[tilespmem:$0x16900] =	vst v63  }
0x23: {  	_ =	swait.ge [sflag:s12], $0x2800  }
0x24: {  	s19 =	simm.s32 $0x14;
	s18 =	simm.s32 $0xA;
	[sflag:s12] =	ssyncset.done $0x0  }
.LBB2_2:
0x25: {  	s20 =	sadd.s32 s18, s10  }
0x26: {  	[sflag:s12] =	ssyncadd.s32 $0xFFFFD800;
	s21 =	smov.u32 s19;
	s22 =	sadd.s32 $0xA, s19  }
0x27: {  	[tilespmem:s3], [sflag:$0x2] =	stream.linear.gather [hbm4b:s20+s3], $0x50, $0x38;
	[tilespmem:$0x16900] =	vst v63  }
0x28: {  	p0 =	sne.s32 s19, $0x4D8;
	_ =	swait.ge [sflag:s12], $0x50  }
0x29: {  	[sflag:s12] =	ssyncset.done $0x0  }
0x2a: {  	s19 =	sadd.s32 s18, s9;
	s18 =	smov.u32 s21;
	[sflag:s12] =	ssyncadd.s32 $0xFFFFFFB0  }
0x2b: {  	[tilespmem:s13], [sflag:$0x2] =	stream.linear.gather [hbm4b:s19+s3], $0x50, $0x38;
	[tilespmem:$0x16900] =	vst v63  }
0x2c: {  	_ =	swait.ge [sflag:s12], $0x50  }
0x2d: {  	[sflag:s12] =	ssyncset.done $0x0  }
0x2e: {  	[sflag:s12] =	ssyncadd.s32 $0xFFFFFFB0  }
0x2f: {  	[tilespmem:s15], [sflag:$0x1] =	stream.indirect.gather [hbm4b:s4+s14], $0x80, s3, s14, $0xb8;
	[tilespmem:$0x16900] =	vst v63  }
0x30: {  	_ =	swait.ge [sflag:s16], $0x2800  }
.Ltmp0:
0x31: {  	[sflag:s16] =	ssyncset.done $0x0;
	(pc) =	sbr.rel @p0 .LBB2_2-.Ltmp0, $4  }
0x32: {  	[sflag:s16] =	ssyncadd.s32 $0xFFFFD800  }
0x33: {  	[spmem:s2] =	stream.indirect.scatter.add.f32 [tilespmem:s15], [sflag:$0x2], $0x80, s13, s14, $0xb8;
	[tilespmem:$0x16900] =	vst v63  }
0x34: {  	_ =	swait.ge [sflag:s12], $0x2800  }
0x35: {  	s19 =	smov.u32 s22;
	[sflag:s12] =	ssyncset.done $0x0  }
0x36: {  	s19 =	sadd.s32 s18, s10;
	[sflag:s12] =	ssyncadd.s32 $0xFFFFD800  }
0x37: {  	[tilespmem:s3], [sflag:$0x2] =	stream.linear.gather [hbm4b:s19+s3], $0x50, $0x38;
	[tilespmem:$0x16900] =	vst v63  }
0x38: {  	_ =	swait.ge [sflag:s12], $0x50  }
0x39: {  	[sflag:s12] =	ssyncset.done $0x0  }
0x3a: {  	s31 =	sadd.s32 s18, s9;
	[sflag:s12] =	ssyncadd.s32 $0xFFFFFFB0  }
0x3b: {  	[tilespmem:s13], [sflag:$0x2] =	stream.linear.gather [hbm4b:s31+s3], $0x50, $0x38;
	[tilespmem:$0x16900] =	vst v63  }
0x3c: {  	_ =	swait.ge [sflag:s12], $0x50  }
0x3d: {  	[sflag:s12] =	ssyncset.done $0x0  }
0x3e: {  	[sflag:s12] =	ssyncadd.s32 $0xFFFFFFB0  }
0x3f: {  	[tilespmem:s15], [sflag:$0x1] =	stream.indirect.gather [hbm4b:s4+s14], $0x80, s3, s14, $0xb8;
	[tilespmem:$0x16900] =	vst v63  }
0x40: {  	_ =	swait.ge [sflag:s16], $0x2800  }
0x41: {  	[sflag:s16] =	ssyncset.done $0x0  }
0x42: {  	[sflag:s16] =	ssyncadd.s32 $0xFFFFD800  }
0x43: {  	[spmem:s2] =	stream.indirect.scatter.add.f32 [tilespmem:s15], [sflag:$0x2], $0x80, s13, s14, $0xb8;
	[tilespmem:$0x16900] =	vst v63  }
0x44: {  	_ =	swait.ge [sflag:s12], $0x2800  }
0x45: {  	s17 =	sadd.s32 $0x1, s17;
	[sflag:s12] =	ssyncset.done $0x0  }
0x46: {  	p0 =	sne.s32 s17, s8;
	[sflag:s12] =	ssyncadd.s32 $0xFFFFD800  }
.Ltmp1:
0x47: {  	[bflag:$0x0] =	sbarrier.arrive $0xFFFF;
	(pc) =	sbr.rel @p0 .LBB2_1-.Ltmp1, $4  }
0x48: {  	[hbm:s7], [sflag:s6] =	dma.local [spmem:s11], $0x2800  }
0x49: {  	_ =	swait.ge [sflag:s12], $0x2800  }
0x4a: {  	[sflag:s12] =	ssyncset.done $0x0  }
0x4b: {  	[sflag:s12] =	ssyncadd.s32 $0xFFFFD800  }
0x4c: {  	_ =	sfence.sel $0x180000  }
0x4d: {  	[bflag:$0x0] =	sbarrier.arrive $0xFFFF  }
0x4e: {  	p0 =	sne.s32 s0, $0x0;
	_ =	strace $0x9000004A  }
0x4f: {  	s0 =	sadd.s32 @!p0 $0x100000, s1;
	[bflag:$0x2] =	sbarrier.arrive $0xFFFF  }
0x50: {  	[sflag:s0] =	ssyncadd.tile.s32 @!p0 $0x1;
	_ =	shalt  }
.Lfunc_end2:
_tile_overlayer_lowered:
.L_overlay_start_2:
0x51: {  	(tag) =	ssettag $0x2  }
0x52: {  	s0 =	rddreg [dreg:$0x0];
	s2 =	stileid.u32  }
0x53: {  	s1 =	rddreg [dreg:$0x1];
	p0 =	sne.s32 s2, $0x0  }
0x54: {  	s3 =	rddreg [dreg:$0x2];
	[bflag:$0x3] =	sbarrier.arrive $0xFFFF;
	s2 =	simm.s32 @!p0 $0x1C02  }
0x55: {  	[timem:s3], [sflag:s2] =	dma.local @!p0 [hbm:s0], s1  }
0x56: {  	s0 =	simm.s32 @!p0 $0x2  }
0x57: {  	_ =	swait.ge @!p0 [sflag:s0], s1  }
0x58: {  	s1 =	ssub.s32 @!p0 $0x0, s1;
	[sflag:s0] =	ssyncset.done @!p0 $0x0  }
0x59: {  	[sflag:s0] =	ssyncadd.s32 @!p0 s1  }
0x5a: {  	[bflag:$0x3] =	sbarrier.arrive $0xFFFF  }
0x5b: {  	_ =	shalt  }

// kernel: kernel.15.cloned.1.call-start
scs
__scs_entry_jumppad:
0x0: {  	(pc) =	sbr.rel $0x88, $3  }
0x1: {  	(tag) =	ssettag $0x0;
	lr =	simm.s32 $0x1  }
0x2: {  	[smem:$0x3F9B] =	sst lr;
	_ =	strace $0xD0000000  }
0x3: {  	_ = 	snop  }
0x4: {  	_ = 	snop  }
0x5: {  	_ = 	snop  }
0x6: {  	_ = 	snop  }
0x7: {  	_ = 	snop  }
__scs_overlays_trampoline_lowered:
0x8: {  	[smem:$0x3FAA] =	sst s0  }
0x9: {  	[smem:$0x3FAB] =	sst s1  }
0xa: {  	[smem:$0x3FAC] =	sst s2  }
0xb: {  	[smem:$0x3FAD] =	sst s3  }
0xc: {  	[smem:$0x3FAE] =	sst s4  }
0xd: {  	[smem:$0x3FAF] =	sst s5  }
0xe: {  	[smem:$0x3FB0] =	sst s6  }
0xf: {  	[smem:$0x3FB1] =	sst s7  }
0x10: {  	[smem:$0x3FB2] =	sst s8  }
0x11: {  	[smem:$0x3FB3] =	sst s9;
	s0 =	simm.s32 @!p0 $0x0  }
0x12: {  	s1 =	sld [smem:$0x3F99];
	s0 =	simm.s32 @p0 $0x1  }
0x13: {  	[smem:$0x3FB4] =	sst s0;
	s0 =	simm.s32 @!p1 $0x0  }
0x14: {  	s2 =	sld [smem:$0x3F98];
	s0 =	simm.s32 @p1 $0x1  }
0x15: {  	[smem:$0x3FB5] =	sst s0;
	s0 =	simm.s32 @!p2 $0x0  }
0x16: {  	s3 =	sld [smem:$0x3FDB];
	s0 =	simm.s32 @p2 $0x1  }
0x17: {  	s4 =	simm.s32 $0x1BF5;
	[smem:$0x3FB7] =	sst s0  }
0x18: {  	s0 =	sld [smem:$0x3F9A];
	_ =	swait.ge [sflag:s4], $0x0  }
0x19: {  	s7 =	sld [smem:$0x3F9B]  }
0x1a: {  	s8 =	sadd.s32 $0xFFFFE003, lr  }
0x1b: {  	s9 =	sadd.s32 $0xFFFFFEF7, lr;
	s5 =	simm.s32 $0xFFFFFFFF;
	p2 =	slt.u32 s8, $0xFFFFF086  }
0x1c: {  	p1 =	slt.u32 s9, $0xF7A;
	s5 =	simm.s32 @!p2 $0x0  }
0x1d: {  	s5 =	simm.s32 @p1 $0x1;
	p0 =	seq.s32 s7, s2  }
0x1e: {  	s7 =	smul.u32 @!p0 $0xF7A, s2;
	p2 =	seq.s32 @!p0 s5, $0x0  }
0x1f: {  	s9 =	smul.u32 $0xF7A, s1;
	s8 =	simm.s32 @!p0 $0x1BF5;
	p2 =	por !p2, p0  }
0x20: {  	[sflag:s8] =	ssyncset.s32 @!p0 $0xFFFFF086;
	s6 =	sadd.s32 @!p0 s3, s7;
	s7 =	simm.s32 @!p0 $0x108  }
0x21: {  	s3 =	sadd.s32 s3, s9;
	s6 =	sadd.s32 @!p0 $0x88, s6;
	s7 =	simm.s32 @p2 $0x1082  }
0x22: {  	[simem:s7], [sflag:s8] =	dma.local @!p0 [hbm:s6], $0xF7A  }
0x23: {  	s9 =	sor.u32 $0xD0000000, s2;
	s6 =	simm.s32 $0x108;
	_ =	swait.ge @!p0 [sflag:s8], $0x0  }
0x24: {  	s3 =	sadd.s32 $0x88, s3;
	s6 =	simm.s32 @!p1 $0x1082;
	[sflag:s4] =	ssyncset.s32 $0xFFFFF086  }
0x25: {  	[simem:s6], [sflag:s4] =	dma.local [hbm:s3], $0xF7A  }
0x26: {  	[smem:$0x3F9B] =	sst s1;
	(tag) =	ssettag s2;
	_ =	strace s9  }
0x27: {  	s1 =	sld [smem:$0x3FAB]  }
0x28: {  	s2 =	sld [smem:$0x3FAC]  }
0x29: {  	s4 =	sld [smem:$0x3FAE]  }
0x2a: {  	p0 =	seq.s32 s5, $0x0;
	s5 =	sld [smem:$0x3FAF]  }
0x2b: {  	s6 =	sld [smem:$0x3FB0]  }
0x2c: {  	s7 =	sld [smem:$0x3FB1]  }
0x2d: {  	s3 =	simm.s32 $0x108;
	s8 =	sld [smem:$0x3FB2]  }
0x2e: {  	s3 =	simm.s32 @!p0 $0x1082;
	s9 =	sld [smem:$0x3FB3]  }
0x2f: {  	lr =	sadd.s32 s0, s3;
	s0 =	sld [smem:$0x3FAA]  }
0x30: {  	s3 =	sld [smem:$0x3FAD]  }
0x31: {  	[smem:$0x3FB6] =	sst s10  }
0x32: {  	s10 =	sld [smem:$0x3FB4];
	_ =	sdelay $0x3  }
0x33: {  	p0 =	seq.s32 s10, $0x1;
	s10 =	sld [smem:$0x3FB6];
	_ =	sdelay $0x3  }
0x34: {  	[smem:$0x3FB6] =	sst s10  }
0x35: {  	s10 =	sld [smem:$0x3FB5];
	_ =	sdelay $0x3  }
0x36: {  	p1 =	seq.s32 s10, $0x1;
	s10 =	sld [smem:$0x3FB6];
	_ =	sdelay $0x3  }
0x37: {  	[smem:$0x3FB6] =	sst s10  }
0x38: {  	s10 =	sld [smem:$0x3FB7]  }
0x39: {  	_ = 	snop;
	(pc) =	sbr.ind lr, $3  }
0x3a: {  	_ = 	snop  }
0x3b: {  	_ = 	snop  }
0x3c: {  	p2 =	seq.s32 s10, $0x1;
	s10 =	sld [smem:$0x3FB6]  }
0x3d: {  	_ =	shalt  }
0x3e: {  	_ =	shalt  }
0x3f: {  	_ =	shalt  }
0x40: {  	_ =	shalt  }
0x41: {  	_ =	shalt  }
0x42: {  	_ =	shalt  }
0x43: {  	_ =	shalt  }
0x44: {  	_ =	shalt  }
0x45: {  	_ =	shalt  }
0x46: {  	_ =	shalt  }
0x47: {  	_ =	shalt  }
0x48: {  	_ =	shalt  }
0x49: {  	_ =	shalt  }
0x4a: {  	_ =	shalt  }
0x4b: {  	_ =	shalt  }
0x4c: {  	_ =	shalt  }
0x4d: {  	_ =	shalt  }
0x4e: {  	_ =	shalt  }
0x4f: {  	_ =	shalt  }
0x50: {  	_ =	shalt  }
0x51: {  	_ =	shalt  }
0x52: {  	_ =	shalt  }
0x53: {  	_ =	shalt  }
0x54: {  	_ =	shalt  }
0x55: {  	_ =	shalt  }
0x56: {  	_ =	shalt  }
0x57: {  	_ =	shalt  }
0x58: {  	_ =	shalt  }
0x59: {  	_ =	shalt  }
0x5a: {  	_ =	shalt  }
0x5b: {  	_ =	shalt  }
0x5c: {  	_ =	shalt  }
0x5d: {  	_ =	shalt  }
0x5e: {  	_ =	shalt  }
0x5f: {  	_ =	shalt  }
0x60: {  	_ =	shalt  }
0x61: {  	_ =	shalt  }
0x62: {  	_ =	shalt  }
0x63: {  	_ =	shalt  }
0x64: {  	_ =	shalt  }
0x65: {  	_ =	shalt  }
0x66: {  	_ =	shalt  }
0x67: {  	_ =	shalt  }
0x68: {  	_ =	shalt  }
0x69: {  	_ =	shalt  }
0x6a: {  	_ =	shalt  }
0x6b: {  	_ =	shalt  }
0x6c: {  	_ =	shalt  }
0x6d: {  	_ =	shalt  }
0x6e: {  	_ =	shalt  }
0x6f: {  	_ =	shalt  }
0x70: {  	_ =	shalt  }
0x71: {  	_ =	shalt  }
0x72: {  	_ =	shalt  }
0x73: {  	_ =	shalt  }
0x74: {  	_ =	shalt  }
0x75: {  	_ =	shalt  }
0x76: {  	_ =	shalt  }
0x77: {  	_ =	shalt  }
0x78: {  	_ =	shalt  }
0x79: {  	_ =	shalt  }
0x7a: {  	_ =	shalt  }
0x7b: {  	_ =	shalt  }
0x7c: {  	_ =	shalt  }
0x7d: {  	_ =	shalt  }
0x7e: {  	_ =	shalt  }
0x7f: {  	_ =	shalt  }
0x80: {  	_ =	shalt  }
0x81: {  	_ =	shalt  }
0x82: {  	_ =	shalt  }
0x83: {  	_ =	shalt  }
0x84: {  	_ =	shalt  }
0x85: {  	_ =	shalt  }
0x86: {  	_ =	shalt  }
0x87: {  	_ =	shalt  }
.Lfunc_end0:
.L_simem_size_0:
called_computation.2_lowered:
.L_overlay_start_0:
0x88: {  	s2 =	sld [smem:$0x3FD9]  }
0x89: {  	s3 =	sld [smem:$0x3FFE];
	_ =	sdelay $0x1  }
0x8a: {  	s1 =	srdreg.scid  }
0x8b: {  	s0 =	sand.u32 $0x1, s1  }
0x8c: {  	s17 =	sshll.u32 s0, $0xA;
	s2 =	sadd.s32 s3, s2  }
0x8d: {  	s2 =	sadd.s32 s2, s17  }
0x8e: {  	[smem:$0x3FC2] =	sst s2  }
0x8f: {  	_ = 	snop  }
0x90: {  	s2 =	sld [smem:$0x3FD0];
	(tm) =	ssettm $0x1  }
0x91: {  	s18 =	sld [smem:$0x3FFB];
	_ =	sdelay $0x3  }
0x92: {  	_ =	strace s18  }
0x93: {  	s3 =	sld [smem:$0x3FFC];
	_ =	sdelay $0x3  }
0x94: {  	_ =	strace s3  }
0x95: {  	s3 =	sld [smem:$0x3FFD];
	_ =	sdelay $0x3  }
0x96: {  	_ =	strace s3  }
0x97: {  	_ =	strace $0x8FFFFFFF  }
0x98: {  	s19 =	sld [smem:$0x3FDB];
	_ =	sdelay $0x1  }
0x99: {  	s4 =	simm.s32 $_scs_section_size  }
0x9a: {  	s5 =	simm.s32 $_size__tile_overlayer_lowered;
	s6 =	simm.s32 $_tile_overlayer_lowered  }
0x9b: {  	s22 =	simm.s32 $0x1BFF;
	s21 =	sshll.u32 s6, $0x1;
	s3 =	sadd.s32 s4, s19  }
0x9c: {  	s7 =	simm.s32 $0x0;
	s20 =	sshll.u32 s5, $0x1;
	s5 =	sadd.s32 s21, s3  }
0x9d: {  	[timem:s7], [sflag:s22] =	dma.local [hbm:s5], s20  }
0x9e: {  	_ =	swait.ge [sflag:s22], s20  }
0x9f: {  	s4 =	ssub.s32 $0x0, s20;
	[sflag:s22] =	ssyncset.done $0x0  }
0xa0: {  	[sflag:s22] =	ssyncadd.s32 s4;
	_ =	sdelay $0x1  }
0xa1: {  	s23 =	simm.s32 $0x1B8B  }
0xa2: {  	_ =	swait.ge [sflag:s23], $0x1  }
0xa3: {  	[sflag:s23] =	ssyncset.done $0x0  }
0xa4: {  	s25 =	simm.s32 $0x1B8E;
	s24 =	sld [smem:$0x3FFE];
	[sflag:s23] =	ssyncadd.s32 $0xFFFFFFFF  }
0xa5: {  	s26 =	simm.s32 $execute0_lowered;
	[smem:$0x3FD2] =	sst s25  }
0xa6: {  	s5 =	sshll.u32 s26, $0x1;
	_ =	strace $0x8000004C;
	[dreg:$0x1] =	wrdreg $0xFFFFFFFF  }
0xa7: {  	s28 =	simm.s32 $_size_execute0_lowered;
	s3 =	sadd.s32 s3, s5;
	[dreg:$0x0] =	wrdreg $0x0  }
0xa8: {  	s5 =	sshll.u32 s28, $0x1;
	[dreg:$0x2] =	wrdreg s3  }
0xa9: {  	[dreg:$0x3] =	wrdreg s5  }
0xaa: {  	[dreg:$0x4] =	wrdreg $0xC0  }
0xab: {  	_ =	task [dreg:s7], $0x5FFFF  }
0xac: {  	[dreg:$0x1] =	wrdreg $0xFFFFFFFF  }
0xad: {  	[dreg:$0x0] =	wrdreg $0x60  }
0xae: {  	[dreg:$0x2] =	wrdreg s24  }
0xaf: {  	[dreg:$0x3] =	wrdreg s2  }
0xb0: {  	[dreg:$0x4] =	wrdreg $0x29000  }
0xb1: {  	[dreg:$0x5] =	wrdreg $0x9  }
0xb2: {  	_ =	task.clear_ibuf [dreg:s7], $0x6FFFF;
	_ =	strace $0x9000004C  }
0xb3: {  	s29 =	simm.s32 $0x9;
	_ =	strace $0x8000004E  }
0xb4: {  	_ =	swait.ge [sflag:s29], $0x1  }
0xb5: {  	[sflag:s29] =	ssyncadd.s32 $0xFFFFFFFF  }
0xb6: {  	_ =	strace $0x9000004E  }
0xb7: {  	_ =	sfence  }
0xb8: {  	s30 =	sld [smem:$0x0];
	_ =	sdelay $0x2  }
0xb9: {  	s31 =	sshll.u32 s1, $0xD;
	s1 =	sshrl.u32 s1, $0x2  }
0xba: {  	s3 =	sand.u32 $0x4000, s31;
	s1 =	sadd.s32 s1, s30  }
0xbb: {  	s0 =	sor.u32 s3, s0;
	s1 =	sshll.u32 s1, $0x11  }
0xbc: {  	s0 =	sor.u32 s1, s0  }
0xbd: {  	s0 =	sadd.s32 $0x8F2B, s0  }
0xbe: {  	[sflag:s0] =	ssyncadd.remote.s32 $0x1  }
0xbf: {  	_ =	sfence.sel $0xFFFF  }
0xc0: {  	[dreg:$0x0] =	wrdreg $0xFFFFFFFF;
	(pc) =	sbr.abs _section_cstart, $3  }
0xc1: {  	[dreg:$0x1] =	wrdreg $0xFFFFFFFF  }
0xc2: {  	_ =	task.clear_ibuf [dreg:s7], $0x2FFFF;
	_ =	strace $0x9FFFFFFF  }
0xc3: {  	(tm) =	ssettm $0x7FFFFFFF  }
tec
execute0_lowered:
.L_overlay_start_1:
0x0: {  	(tag) =	ssettag $0x1  }
0x1: {  	s5 =	rddreg [dreg:$0x0]  }
0x2: {  	s0 =	srdreg.scid;
	s10 =	rddreg [dreg:$0x1]  }
0x3: {  	s2 =	rddreg [dreg:$0x2];
	s6 =	sand.u32 $0x1, s0  }
0x4: {  	s0 =	stileid.u32;
	s4 =	smul.u32 $0x27100, s6  }
0x5: {  	s1 =	rddreg [dreg:$0x3];
	s3 =	simm.s32 $0x0;
	s7 =	smul.u32 $0x2710, s0  }
0x6: {  	s15 =	simm.s32 $0x100;
	s16 =	simm.s32 $0x1;
	s28 =	smul.u32 $0x14000, s0  }
0x7: {  	s17 =	simm.s32 $0x0;
	[smem:$0x7FF] =	sst s3;
	s8 =	smul.u32 $0x140000, s6  }
0x8: {  	_ =	strace $0x8000004D;
	s6 =	ssub.s32 $0x2, s6;
	s29 =	smul.u32 $0x50000, s0  }
0x9: {  	s31 =	sshll.u32 s0, $0x6;
	s13 =	sshrl.u32 s6, $0x1;
	s4 =	sadd.s32 s7, s4  }
0xa: {  	s12 =	sshrl.u32 s28, $0x3;
	s7 =	sadd.s32 s28, s8;
	s13 =	ssub.s32 s6, s13  }
0xb: {  	s30 =	sshrl.u32 s29, $0x2;
	s6 =	sor.u32 $0x1C02, s31;
	s11 =	sshrl.u32 s4, $0x3  }
0xc: {  	s4 =	sadd.s32 $0xBE00, s5;
	s12 =	sadd.s32 s12, s5;
	s7 =	sshrl.u32 s7, $0x3  }
0xd: {  	s14 =	sadd.s32 s30, s2;
	s8 =	smax.u32 s13, $0x1;
	s13 =	simm.s32 $0x80  }
0xe: {  	s9 =	sadd.s32 s11, s5;
	s7 =	sadd.s32 s7, s5;
	s5 =	sadd.s32 $0xEDA00, s12  }
0xf: {  	s10 =	sadd.s32 s11, s10;
	s11 =	sshrl.u32 s14, $0x3;
	s12 =	simm.s32 $0x2  }
0x10: {  	s14 =	simm.s32 $0x50;
	s7 =	sadd.s32 $0x115A00, s7;
	s9 =	sadd.s32 $0x2000, s9  }
.LBB2_1:
0x11: {  	[spmem:s11], [sflag:s6] =	dma.local [hbm:s5], $0x2800  }
0x12: {  	_ =	swait.ge [sflag:s12], $0x2800  }
0x13: {  	[sflag:s12] =	ssyncset.done $0x0  }
0x14: {  	[sflag:s12] =	ssyncadd.s32 $0xFFFFD800  }
0x15: {  	s18 =	sadd.s32 $0x0, s10;
	[bflag:$0x0] =	sbarrier.arrive $0xFFFF  }
0x16: {  	[tilespmem:s3], [sflag:$0x2] =	stream.linear.gather [hbm4b:s18+s3], $0x50, $0x38;
	[tilespmem:$0x16900] =	vst v63  }
0x17: {  	_ =	swait.ge [sflag:s12], $0x50  }
0x18: {  	[sflag:s12] =	ssyncset.done $0x0  }
0x19: {  	s31 =	sadd.s32 $0x0, s9;
	[sflag:s12] =	ssyncadd.s32 $0xFFFFFFB0  }
0x1a: {  	[tilespmem:s13], [sflag:$0x2] =	stream.linear.gather [hbm4b:s31+s3], $0x50, $0x38;
	[tilespmem:$0x16900] =	vst v63  }
0x1b: {  	_ =	swait.ge [sflag:s12], $0x50  }
0x1c: {  	[sflag:s12] =	ssyncset.done $0x0  }
0x1d: {  	[sflag:s12] =	ssyncadd.s32 $0xFFFFFFB0  }
0x1e: {  	[tilespmem:s15], [sflag:$0x1] =	stream.indirect.gather [hbm4b:s4+s14], $0x80, s3, s14, $0xb8;
	[tilespmem:$0x16900] =	vst v63  }
0x1f: {  	_ =	swait.ge [sflag:s16], $0x2800  }
0x20: {  	[sflag:s16] =	ssyncset.done $0x0  }
0x21: {  	[sflag:s16] =	ssyncadd.s32 $0xFFFFD800  }
0x22: {  	[spmem:s2] =	stream.indirect.scatter.add.f32 [tilespmem:s15], [sflag:$0x2], $0x80, s13, s14, $0xb8;
	[tilespmem:$0x16900] =	vst v63  }
0x23: {  	_ =	swait.ge [sflag:s12], $0x2800  }
0x24: {  	s19 =	simm.s32 $0x14;
	s18 =	simm.s32 $0xA;
	[sflag:s12] =	ssyncset.done $0x0  }
.LBB2_2:
0x25: {  	s20 =	sadd.s32 s18, s10  }
0x26: {  	[sflag:s12] =	ssyncadd.s32 $0xFFFFD800;
	s21 =	smov.u32 s19;
	s22 =	sadd.s32 $0xA, s19  }
0x27: {  	[tilespmem:s3], [sflag:$0x2] =	stream.linear.gather [hbm4b:s20+s3], $0x50, $0x38;
	[tilespmem:$0x16900] =	vst v63  }
0x28: {  	p0 =	sne.s32 s19, $0x4D8;
	_ =	swait.ge [sflag:s12], $0x50  }
0x29: {  	[sflag:s12] =	ssyncset.done $0x0  }
0x2a: {  	s19 =	sadd.s32 s18, s9;
	s18 =	smov.u32 s21;
	[sflag:s12] =	ssyncadd.s32 $0xFFFFFFB0  }
0x2b: {  	[tilespmem:s13], [sflag:$0x2] =	stream.linear.gather [hbm4b:s19+s3], $0x50, $0x38;
	[tilespmem:$0x16900] =	vst v63  }
0x2c: {  	_ =	swait.ge [sflag:s12], $0x50  }
0x2d: {  	[sflag:s12] =	ssyncset.done $0x0  }
0x2e: {  	[sflag:s12] =	ssyncadd.s32 $0xFFFFFFB0  }
0x2f: {  	[tilespmem:s15], [sflag:$0x1] =	stream.indirect.gather [hbm4b:s4+s14], $0x80, s3, s14, $0xb8;
	[tilespmem:$0x16900] =	vst v63  }
0x30: {  	_ =	swait.ge [sflag:s16], $0x2800  }
.Ltmp0:
0x31: {  	[sflag:s16] =	ssyncset.done $0x0;
	(pc) =	sbr.rel @p0 .LBB2_2-.Ltmp0, $4  }
0x32: {  	[sflag:s16] =	ssyncadd.s32 $0xFFFFD800  }
0x33: {  	[spmem:s2] =	stream.indirect.scatter.add.f32 [tilespmem:s15], [sflag:$0x2], $0x80, s13, s14, $0xb8;
	[tilespmem:$0x16900] =	vst v63  }
0x34: {  	_ =	swait.ge [sflag:s12], $0x2800  }
0x35: {  	s19 =	smov.u32 s22;
	[sflag:s12] =	ssyncset.done $0x0  }
0x36: {  	s19 =	sadd.s32 s18, s10;
	[sflag:s12] =	ssyncadd.s32 $0xFFFFD800  }
0x37: {  	[tilespmem:s3], [sflag:$0x2] =	stream.linear.gather [hbm4b:s19+s3], $0x50, $0x38;
	[tilespmem:$0x16900] =	vst v63  }
0x38: {  	_ =	swait.ge [sflag:s12], $0x50  }
0x39: {  	[sflag:s12] =	ssyncset.done $0x0  }
0x3a: {  	s31 =	sadd.s32 s18, s9;
	[sflag:s12] =	ssyncadd.s32 $0xFFFFFFB0  }
0x3b: {  	[tilespmem:s13], [sflag:$0x2] =	stream.linear.gather [hbm4b:s31+s3], $0x50, $0x38;
	[tilespmem:$0x16900] =	vst v63  }
0x3c: {  	_ =	swait.ge [sflag:s12], $0x50  }
0x3d: {  	[sflag:s12] =	ssyncset.done $0x0  }
0x3e: {  	[sflag:s12] =	ssyncadd.s32 $0xFFFFFFB0  }
0x3f: {  	[tilespmem:s15], [sflag:$0x1] =	stream.indirect.gather [hbm4b:s4+s14], $0x80, s3, s14, $0xb8;
	[tilespmem:$0x16900] =	vst v63  }
0x40: {  	_ =	swait.ge [sflag:s16], $0x2800  }
0x41: {  	[sflag:s16] =	ssyncset.done $0x0  }
0x42: {  	[sflag:s16] =	ssyncadd.s32 $0xFFFFD800  }
0x43: {  	[spmem:s2] =	stream.indirect.scatter.add.f32 [tilespmem:s15], [sflag:$0x2], $0x80, s13, s14, $0xb8;
	[tilespmem:$0x16900] =	vst v63  }
0x44: {  	_ =	swait.ge [sflag:s12], $0x2800  }
0x45: {  	s17 =	sadd.s32 $0x1, s17;
	[sflag:s12] =	ssyncset.done $0x0  }
0x46: {  	p0 =	sne.s32 s17, s8;
	[sflag:s12] =	ssyncadd.s32 $0xFFFFD800  }
.Ltmp1:
0x47: {  	[bflag:$0x0] =	sbarrier.arrive $0xFFFF;
	(pc) =	sbr.rel @p0 .LBB2_1-.Ltmp1, $4  }
0x48: {  	[hbm:s7], [sflag:s6] =	dma.local [spmem:s11], $0x2800  }
0x49: {  	_ =	swait.ge [sflag:s12], $0x2800  }
0x4a: {  	[sflag:s12] =	ssyncset.done $0x0  }
0x4b: {  	[sflag:s12] =	ssyncadd.s32 $0xFFFFD800  }
0x4c: {  	_ =	sfence.sel $0x180000  }
0x4d: {  	[bflag:$0x0] =	sbarrier.arrive $0xFFFF  }
0x4e: {  	p0 =	sne.s32 s0, $0x0;
	_ =	strace $0x9000004D  }
0x4f: {  	s0 =	sadd.s32 @!p0 $0x100000, s1;
	[bflag:$0x2] =	sbarrier.arrive $0xFFFF  }
0x50: {  	[sflag:s0] =	ssyncadd.tile.s32 @!p0 $0x1;
	_ =	shalt  }
.Lfunc_end2:
_tile_overlayer_lowered:
.L_overlay_start_2:
0x51: {  	(tag) =	ssettag $0x2  }
0x52: {  	s0 =	rddreg [dreg:$0x0];
	s2 =	stileid.u32  }
0x53: {  	s1 =	rddreg [dreg:$0x1];
	p0 =	sne.s32 s2, $0x0  }
0x54: {  	s3 =	rddreg [dreg:$0x2];
	[bflag:$0x3] =	sbarrier.arrive $0xFFFF;
	s2 =	simm.s32 @!p0 $0x1C02  }
0x55: {  	[timem:s3], [sflag:s2] =	dma.local @!p0 [hbm:s0], s1  }
0x56: {  	s0 =	simm.s32 @!p0 $0x2  }
0x57: {  	_ =	swait.ge @!p0 [sflag:s0], s1  }
0x58: {  	s1 =	ssub.s32 @!p0 $0x0, s1;
	[sflag:s0] =	ssyncset.done @!p0 $0x0  }
0x59: {  	[sflag:s0] =	ssyncadd.s32 @!p0 s1  }
0x5a: {  	[bflag:$0x3] =	sbarrier.arrive $0xFFFF  }
0x5b: {  	_ =	shalt  }

// kernel: kernel.9.cloned.1.call-start
scs
__scs_entry_jumppad:
0x0: {  	(pc) =	sbr.rel $0x88, $3  }
0x1: {  	(tag) =	ssettag $0x0;
	lr =	simm.s32 $0x1  }
0x2: {  	[smem:$0x3F9B] =	sst lr;
	_ =	strace $0xD0000000  }
0x3: {  	_ = 	snop  }
0x4: {  	_ = 	snop  }
0x5: {  	_ = 	snop  }
0x6: {  	_ = 	snop  }
0x7: {  	_ = 	snop  }
__scs_overlays_trampoline_lowered:
0x8: {  	[smem:$0x3FAA] =	sst s0  }
0x9: {  	[smem:$0x3FAB] =	sst s1  }
0xa: {  	[smem:$0x3FAC] =	sst s2  }
0xb: {  	[smem:$0x3FAD] =	sst s3  }
0xc: {  	[smem:$0x3FAE] =	sst s4  }
0xd: {  	[smem:$0x3FAF] =	sst s5  }
0xe: {  	[smem:$0x3FB0] =	sst s6  }
0xf: {  	[smem:$0x3FB1] =	sst s7  }
0x10: {  	[smem:$0x3FB2] =	sst s8  }
0x11: {  	[smem:$0x3FB3] =	sst s9;
	s0 =	simm.s32 @!p0 $0x0  }
0x12: {  	s1 =	sld [smem:$0x3F99];
	s0 =	simm.s32 @p0 $0x1  }
0x13: {  	[smem:$0x3FB4] =	sst s0;
	s0 =	simm.s32 @!p1 $0x0  }
0x14: {  	s2 =	sld [smem:$0x3F98];
	s0 =	simm.s32 @p1 $0x1  }
0x15: {  	[smem:$0x3FB5] =	sst s0;
	s0 =	simm.s32 @!p2 $0x0  }
0x16: {  	s3 =	sld [smem:$0x3FDB];
	s0 =	simm.s32 @p2 $0x1  }
0x17: {  	s4 =	simm.s32 $0x1BF5;
	[smem:$0x3FB7] =	sst s0  }
0x18: {  	s0 =	sld [smem:$0x3F9A];
	_ =	swait.ge [sflag:s4], $0x0  }
0x19: {  	s7 =	sld [smem:$0x3F9B]  }
0x1a: {  	s8 =	sadd.s32 $0xFFFFE003, lr  }
0x1b: {  	s9 =	sadd.s32 $0xFFFFFEF7, lr;
	s5 =	simm.s32 $0xFFFFFFFF;
	p2 =	slt.u32 s8, $0xFFFFF086  }
0x1c: {  	p1 =	slt.u32 s9, $0xF7A;
	s5 =	simm.s32 @!p2 $0x0  }
0x1d: {  	s5 =	simm.s32 @p1 $0x1;
	p0 =	seq.s32 s7, s2  }
0x1e: {  	s7 =	smul.u32 @!p0 $0xF7A, s2;
	p2 =	seq.s32 @!p0 s5, $0x0  }
0x1f: {  	s9 =	smul.u32 $0xF7A, s1;
	s8 =	simm.s32 @!p0 $0x1BF5;
	p2 =	por !p2, p0  }
0x20: {  	[sflag:s8] =	ssyncset.s32 @!p0 $0xFFFFF086;
	s6 =	sadd.s32 @!p0 s3, s7;
	s7 =	simm.s32 @!p0 $0x108  }
0x21: {  	s3 =	sadd.s32 s3, s9;
	s6 =	sadd.s32 @!p0 $0x88, s6;
	s7 =	simm.s32 @p2 $0x1082  }
0x22: {  	[simem:s7], [sflag:s8] =	dma.local @!p0 [hbm:s6], $0xF7A  }
0x23: {  	s9 =	sor.u32 $0xD0000000, s2;
	s6 =	simm.s32 $0x108;
	_ =	swait.ge @!p0 [sflag:s8], $0x0  }
0x24: {  	s3 =	sadd.s32 $0x88, s3;
	s6 =	simm.s32 @!p1 $0x1082;
	[sflag:s4] =	ssyncset.s32 $0xFFFFF086  }
0x25: {  	[simem:s6], [sflag:s4] =	dma.local [hbm:s3], $0xF7A  }
0x26: {  	[smem:$0x3F9B] =	sst s1;
	(tag) =	ssettag s2;
	_ =	strace s9  }
0x27: {  	s1 =	sld [smem:$0x3FAB]  }
0x28: {  	s2 =	sld [smem:$0x3FAC]  }
0x29: {  	s4 =	sld [smem:$0x3FAE]  }
0x2a: {  	p0 =	seq.s32 s5, $0x0;
	s5 =	sld [smem:$0x3FAF]  }
0x2b: {  	s6 =	sld [smem:$0x3FB0]  }
0x2c: {  	s7 =	sld [smem:$0x3FB1]  }
0x2d: {  	s3 =	simm.s32 $0x108;
	s8 =	sld [smem:$0x3FB2]  }
0x2e: {  	s3 =	simm.s32 @!p0 $0x1082;
	s9 =	sld [smem:$0x3FB3]  }
0x2f: {  	lr =	sadd.s32 s0, s3;
	s0 =	sld [smem:$0x3FAA]  }
0x30: {  	s3 =	sld [smem:$0x3FAD]  }
0x31: {  	[smem:$0x3FB6] =	sst s10  }
0x32: {  	s10 =	sld [smem:$0x3FB4];
	_ =	sdelay $0x3  }
0x33: {  	p0 =	seq.s32 s10, $0x1;
	s10 =	sld [smem:$0x3FB6];
	_ =	sdelay $0x3  }
0x34: {  	[smem:$0x3FB6] =	sst s10  }
0x35: {  	s10 =	sld [smem:$0x3FB5];
	_ =	sdelay $0x3  }
0x36: {  	p1 =	seq.s32 s10, $0x1;
	s10 =	sld [smem:$0x3FB6];
	_ =	sdelay $0x3  }
0x37: {  	[smem:$0x3FB6] =	sst s10  }
0x38: {  	s10 =	sld [smem:$0x3FB7]  }
0x39: {  	_ = 	snop;
	(pc) =	sbr.ind lr, $3  }
0x3a: {  	_ = 	snop  }
0x3b: {  	_ = 	snop  }
0x3c: {  	p2 =	seq.s32 s10, $0x1;
	s10 =	sld [smem:$0x3FB6]  }
0x3d: {  	_ =	shalt  }
0x3e: {  	_ =	shalt  }
0x3f: {  	_ =	shalt  }
0x40: {  	_ =	shalt  }
0x41: {  	_ =	shalt  }
0x42: {  	_ =	shalt  }
0x43: {  	_ =	shalt  }
0x44: {  	_ =	shalt  }
0x45: {  	_ =	shalt  }
0x46: {  	_ =	shalt  }
0x47: {  	_ =	shalt  }
0x48: {  	_ =	shalt  }
0x49: {  	_ =	shalt  }
0x4a: {  	_ =	shalt  }
0x4b: {  	_ =	shalt  }
0x4c: {  	_ =	shalt  }
0x4d: {  	_ =	shalt  }
0x4e: {  	_ =	shalt  }
0x4f: {  	_ =	shalt  }
0x50: {  	_ =	shalt  }
0x51: {  	_ =	shalt  }
0x52: {  	_ =	shalt  }
0x53: {  	_ =	shalt  }
0x54: {  	_ =	shalt  }
0x55: {  	_ =	shalt  }
0x56: {  	_ =	shalt  }
0x57: {  	_ =	shalt  }
0x58: {  	_ =	shalt  }
0x59: {  	_ =	shalt  }
0x5a: {  	_ =	shalt  }
0x5b: {  	_ =	shalt  }
0x5c: {  	_ =	shalt  }
0x5d: {  	_ =	shalt  }
0x5e: {  	_ =	shalt  }
0x5f: {  	_ =	shalt  }
0x60: {  	_ =	shalt  }
0x61: {  	_ =	shalt  }
0x62: {  	_ =	shalt  }
0x63: {  	_ =	shalt  }
0x64: {  	_ =	shalt  }
0x65: {  	_ =	shalt  }
0x66: {  	_ =	shalt  }
0x67: {  	_ =	shalt  }
0x68: {  	_ =	shalt  }
0x69: {  	_ =	shalt  }
0x6a: {  	_ =	shalt  }
0x6b: {  	_ =	shalt  }
0x6c: {  	_ =	shalt  }
0x6d: {  	_ =	shalt  }
0x6e: {  	_ =	shalt  }
0x6f: {  	_ =	shalt  }
0x70: {  	_ =	shalt  }
0x71: {  	_ =	shalt  }
0x72: {  	_ =	shalt  }
0x73: {  	_ =	shalt  }
0x74: {  	_ =	shalt  }
0x75: {  	_ =	shalt  }
0x76: {  	_ =	shalt  }
0x77: {  	_ =	shalt  }
0x78: {  	_ =	shalt  }
0x79: {  	_ =	shalt  }
0x7a: {  	_ =	shalt  }
0x7b: {  	_ =	shalt  }
0x7c: {  	_ =	shalt  }
0x7d: {  	_ =	shalt  }
0x7e: {  	_ =	shalt  }
0x7f: {  	_ =	shalt  }
0x80: {  	_ =	shalt  }
0x81: {  	_ =	shalt  }
0x82: {  	_ =	shalt  }
0x83: {  	_ =	shalt  }
0x84: {  	_ =	shalt  }
0x85: {  	_ =	shalt  }
0x86: {  	_ =	shalt  }
0x87: {  	_ =	shalt  }
.Lfunc_end0:
.L_simem_size_0:
called_computation_lowered:
.L_overlay_start_0:
0x88: {  	s2 =	sld [smem:$0x3FD9]  }
0x89: {  	s3 =	sld [smem:$0x3FFE];
	_ =	sdelay $0x1  }
0x8a: {  	s1 =	srdreg.scid  }
0x8b: {  	s0 =	sand.u32 $0x1, s1  }
0x8c: {  	s16 =	sshll.u32 s0, $0xA;
	s2 =	sadd.s32 s3, s2  }
0x8d: {  	s2 =	sadd.s32 s2, s16  }
0x8e: {  	[smem:$0x3FC2] =	sst s2  }
0x8f: {  	_ = 	snop  }
0x90: {  	(tm) =	ssettm $0x1  }
0x91: {  	s17 =	sld [smem:$0x3FFB];
	_ =	sdelay $0x3  }
0x92: {  	_ =	strace s17  }
0x93: {  	s2 =	sld [smem:$0x3FFC];
	_ =	sdelay $0x3  }
0x94: {  	_ =	strace s2  }
0x95: {  	s2 =	sld [smem:$0x3FFD];
	_ =	sdelay $0x3  }
0x96: {  	_ =	strace s2  }
0x97: {  	_ =	strace $0x8FFFFFFF  }
0x98: {  	s18 =	sld [smem:$0x3FDB];
	_ =	sdelay $0x1  }
0x99: {  	s19 =	simm.s32 $_scs_section_size  }
0x9a: {  	s4 =	simm.s32 $_size__tile_overlayer_lowered;
	s5 =	simm.s32 $_tile_overlayer_lowered  }
0x9b: {  	s22 =	simm.s32 $0x1BFF;
	s21 =	sshll.u32 s5, $0x1;
	s2 =	sadd.s32 s19, s18  }
0x9c: {  	s6 =	simm.s32 $0x0;
	s20 =	sshll.u32 s4, $0x1;
	s4 =	sadd.s32 s21, s2  }
0x9d: {  	[timem:s6], [sflag:s22] =	dma.local [hbm:s4], s20  }
0x9e: {  	_ =	swait.ge [sflag:s22], s20  }
0x9f: {  	s3 =	ssub.s32 $0x0, s20;
	[sflag:s22] =	ssyncset.done $0x0  }
0xa0: {  	[sflag:s22] =	ssyncadd.s32 s3;
	_ =	sdelay $0x1  }
0xa1: {  	s23 =	simm.s32 $0x1B8B  }
0xa2: {  	_ =	swait.ge [sflag:s23], $0x1  }
0xa3: {  	[sflag:s23] =	ssyncset.done $0x0  }
0xa4: {  	s25 =	simm.s32 $0x1B8E;
	s24 =	sld [smem:$0x3FFE];
	[sflag:s23] =	ssyncadd.s32 $0xFFFFFFFF  }
0xa5: {  	s26 =	simm.s32 $execute0_lowered;
	[smem:$0x3FD2] =	sst s25  }
0xa6: {  	s4 =	sshll.u32 s26, $0x1;
	_ =	strace $0x80000046;
	[dreg:$0x1] =	wrdreg $0xFFFFFFFF  }
0xa7: {  	s28 =	simm.s32 $_size_execute0_lowered;
	s2 =	sadd.s32 s2, s4;
	[dreg:$0x0] =	wrdreg $0x0  }
0xa8: {  	s4 =	sshll.u32 s28, $0x1;
	[dreg:$0x2] =	wrdreg s2  }
0xa9: {  	[dreg:$0x3] =	wrdreg s4  }
0xaa: {  	[dreg:$0x4] =	wrdreg $0xC0  }
0xab: {  	_ =	task [dreg:s6], $0x5FFFF  }
0xac: {  	[dreg:$0x1] =	wrdreg $0xFFFFFFFF  }
0xad: {  	[dreg:$0x0] =	wrdreg $0x60  }
0xae: {  	[dreg:$0x2] =	wrdreg s24  }
0xaf: {  	[dreg:$0x3] =	wrdreg $0x100800  }
0xb0: {  	[dreg:$0x4] =	wrdreg $0x103000  }
0xb1: {  	[dreg:$0x5] =	wrdreg $0x9  }
0xb2: {  	_ =	task.clear_ibuf [dreg:s6], $0x6FFFF;
	_ =	strace $0x90000046  }
0xb3: {  	s29 =	simm.s32 $0x9;
	_ =	strace $0x80000048  }
0xb4: {  	_ =	swait.ge [sflag:s29], $0x1  }
0xb5: {  	[sflag:s29] =	ssyncadd.s32 $0xFFFFFFFF  }
0xb6: {  	_ =	strace $0x90000048  }
0xb7: {  	_ =	sfence  }
0xb8: {  	s30 =	sld [smem:$0x0];
	_ =	sdelay $0x2  }
0xb9: {  	s31 =	sshll.u32 s1, $0xD;
	s1 =	sshrl.u32 s1, $0x2  }
0xba: {  	s3 =	sand.u32 $0x4000, s31;
	s1 =	sadd.s32 s1, s30  }
0xbb: {  	s0 =	sor.u32 s3, s0;
	s1 =	sshll.u32 s1, $0x11  }
0xbc: {  	s0 =	sor.u32 s1, s0  }
0xbd: {  	s0 =	sadd.s32 $0x8F2B, s0  }
0xbe: {  	[sflag:s0] =	ssyncadd.remote.s32 $0x1  }
0xbf: {  	_ =	sfence.sel $0xFFFF  }
0xc0: {  	[dreg:$0x0] =	wrdreg $0xFFFFFFFF;
	(pc) =	sbr.abs _section_cstart, $3  }
0xc1: {  	[dreg:$0x1] =	wrdreg $0xFFFFFFFF  }
0xc2: {  	_ =	task.clear_ibuf [dreg:s6], $0x2FFFF;
	_ =	strace $0x9FFFFFFF  }
0xc3: {  	(tm) =	ssettm $0x7FFFFFFF  }
tec
execute0_lowered:
.L_overlay_start_1:
0x0: {  	(tag) =	ssettag $0x1  }
0x1: {  	s6 =	rddreg [dreg:$0x0]  }
0x2: {  	s1 =	rddreg [dreg:$0x1]  }
0x3: {  	s3 =	rddreg [dreg:$0x2]  }
0x4: {  	s0 =	rddreg [dreg:$0x3];
	s5 =	srdreg.scid  }
0x5: {  	s4 =	simm.s32 $0x0;
	s2 =	stileid.u32;
	s16 =	simm.s32 $0x10000  }
0x6: {  	s17 =	simm.s32 $0x8000;
	s18 =	simm.s32 $0x28;
	s19 =	simm.s32 $0x1  }
0x7: {  	s20 =	simm.s32 $0x2;
	s21 =	simm.s32 $0x20;
	s22 =	simm.s32 $0x10  }
0x8: {  	s23 =	simm.s32 $0x0;
	s7 =	sand.u32 $0x1, s5;
	s29 =	smul.u32 $0x500, s2  }
0x9: {  	s8 =	sshll.u32 s2, $0xC;
	[smem:$0x7FF] =	sst s4;
	s11 =	smul.u32 $0x280, s2  }
0xa: {  	s31 =	sshll.u32 s2, $0x6;
	s5 =	sshll.u32 s7, $0x10;
	s9 =	smul.u32 $0x5000, s7  }
0xb: {  	_ =	strace $0x80000047;
	s7 =	ssub.s32 $0x2, s7;
	s5 =	sor.u32 s8, s5  }
0xc: {  	s30 =	sshrl.u32 s11, $0x3;
	s12 =	sshrl.u32 s7, $0x1;
	s14 =	sadd.s32 s11, s1  }
0xd: {  	s15 =	sadd.s32 s11, s3;
	s10 =	sadd.s32 s5, s6;
	s5 =	sadd.s32 $0x4C400, s6  }
0xe: {  	s8 =	sadd.s32 s29, s9;
	s9 =	sadd.s32 s30, s6;
	s12 =	ssub.s32 s7, s12  }
0xf: {  	s7 =	sor.u32 $0x1C03, s31;
	s15 =	sshrl.u32 s15, $0x3;
	s8 =	sshrl.u32 s8, $0x3  }
0x10: {  	s12 =	smax.u32 s12, $0x1;
	s13 =	sadd.s32 s8, s6;
	s6 =	sadd.s32 $0x4BE00, s9  }
0x11: {  	s8 =	sadd.s32 $0xBE00, s10;
	s9 =	sadd.s32 $0x2BE00, s10;
	s10 =	sadd.s32 $0x4C600, s13  }
0x12: {  	s11 =	sadd.s32 $0x4C610, s13;
	s13 =	sshrl.u32 s14, $0x3;
	s14 =	simm.s32 $0x3  }
.LBB2_1:
0x13: {  	[spmem:s13], [sflag:s7] =	dma.local [hbm:s6], $0x50  }
0x14: {  	_ =	swait.ge [sflag:s14], $0x50  }
0x15: {  	[sflag:s14] =	ssyncset.done $0x0  }
0x16: {  	[sflag:s14] =	ssyncadd.s32 $0xFFFFFFB0  }
0x17: {  	[spmem:s15], [sflag:s7] =	dma.local [hbm:s6], $0x50  }
0x18: {  	_ =	swait.ge [sflag:s14], $0x50  }
0x19: {  	[sflag:s14] =	ssyncset.done $0x0  }
0x1a: {  	[sflag:s14] =	ssyncadd.s32 $0xFFFFFFB0  }
0x1b: {  	[tilespmem:s16], [sflag:$0x3] =	stream.linear.gather [hbm4b:s5+s4], $0x80, $0x38;
	[tilespmem:$0x10580] =	vst v63  }
0x1c: {  	_ =	swait.ge [sflag:s14], $0x80  }
0x1d: {  	[sflag:s14] =	ssyncset.done $0x0  }
0x1e: {  	[sflag:s14] =	ssyncadd.s32 $0xFFFFFF80  }
0x1f: {  	[tilespmem:s4], [sflag:$0x3] =	stream.linear.gather [hbm4b:s8+s4], $0x7D00, $0x38;
	[tilespmem:$0x10580] =	vst v63  }
0x20: {  	_ =	swait.ge [sflag:s14], $0x7D00  }
0x21: {  	[sflag:s14] =	ssyncset.done $0x0  }
0x22: {  	[sflag:s14] =	ssyncadd.s32 $0xFFFF8300  }
0x23: {  	[tilespmem:s17], [sflag:$0x3] =	stream.linear.gather [hbm4b:s9+s4], $0x7D00, $0x38;
	[tilespmem:$0x10580] =	vst v63  }
0x24: {  	_ =	swait.ge [sflag:s14], $0x7D00  }
0x25: {  	[sflag:s14] =	ssyncset.done $0x0  }
0x26: {  	[sflag:s14] =	ssyncadd.s32 $0xFFFF8300  }
0x27: {  	s24 =	simm.s32 $0x0;
	[bflag:$0x0] =	sbarrier.arrive $0xFFFF  }
0x28: {  	[spmem:s1] =	stream.indirect.scatter.add.f32 [tilespmem:s16], [sflag:$0x1], $0x1, s24, s18, $0xb8;
	[tilespmem:$0x10580] =	vst v63  }
0x29: {  	s26 =	simm.s32 $0x8000  }
0x2a: {  	[spmem:s3] =	stream.indirect.scatter.add.f32 [tilespmem:s16], [sflag:$0x2], $0x1, s26, s18, $0xb8;
	[tilespmem:$0x10580] =	vst v63  }
0x2b: {  	s29 =	simm.s32 $0x80  }
0x2c: {  	[spmem:s1] =	stream.indirect.scatter.add.f32 [tilespmem:s16], [sflag:$0x1], $0x1, s29, s18, $0xb8;
	[tilespmem:$0x10580] =	vst v63  }
0x2d: {  	s30 =	simm.s32 $0x8080  }
0x2e: {  	[spmem:s3] =	stream.indirect.scatter.add.f32 [tilespmem:s16], [sflag:$0x2], $0x1, s30, s18, $0xb8;
	[tilespmem:$0x10580] =	vst v63  }
0x2f: {  	s31 =	simm.s32 $0x100  }
0x30: {  	[spmem:s1] =	stream.indirect.scatter.add.f32 [tilespmem:s16], [sflag:$0x1], $0x1, s31, s18, $0xb8;
	[tilespmem:$0x10580] =	vst v63  }
0x31: {  	s25 =	simm.s32 $0x8100  }
0x32: {  	[spmem:s3] =	stream.indirect.scatter.add.f32 [tilespmem:s16], [sflag:$0x2], $0x1, s25, s18, $0xb8;
	[tilespmem:$0x10580] =	vst v63  }
0x33: {  	s26 =	simm.s32 $0x180  }
0x34: {  	[spmem:s1] =	stream.indirect.scatter.add.f32 [tilespmem:s16], [sflag:$0x1], $0x1, s26, s18, $0xb8;
	[tilespmem:$0x10580] =	vst v63  }
0x35: {  	s29 =	simm.s32 $0x8180  }
0x36: {  	[spmem:s3] =	stream.indirect.scatter.add.f32 [tilespmem:s16], [sflag:$0x2], $0x1, s29, s18, $0xb8;
	[tilespmem:$0x10580] =	vst v63  }
0x37: {  	s30 =	simm.s32 $0x200  }
0x38: {  	[spmem:s1] =	stream.indirect.scatter.add.f32 [tilespmem:s16], [sflag:$0x1], $0x1, s30, s18, $0xb8;
	[tilespmem:$0x10580] =	vst v63  }
0x39: {  	s31 =	simm.s32 $0x8200  }
0x3a: {  	[spmem:s3] =	stream.indirect.scatter.add.f32 [tilespmem:s16], [sflag:$0x2], $0x1, s31, s18, $0xb8;
	[tilespmem:$0x10580] =	vst v63  }
0x3b: {  	s25 =	simm.s32 $0x280  }
0x3c: {  	[spmem:s1] =	stream.indirect.scatter.add.f32 [tilespmem:s16], [sflag:$0x1], $0x1, s25, s18, $0xb8;
	[tilespmem:$0x10580] =	vst v63  }
0x3d: {  	s26 =	simm.s32 $0x8280  }
0x3e: {  	[spmem:s3] =	stream.indirect.scatter.add.f32 [tilespmem:s16], [sflag:$0x2], $0x1, s26, s18, $0xb8;
	[tilespmem:$0x10580] =	vst v63  }
0x3f: {  	s29 =	simm.s32 $0x300  }
0x40: {  	[spmem:s1] =	stream.indirect.scatter.add.f32 [tilespmem:s16], [sflag:$0x1], $0x1, s29, s18, $0xb8;
	[tilespmem:$0x10580] =	vst v63  }
0x41: {  	s30 =	simm.s32 $0x8300  }
0x42: {  	[spmem:s3] =	stream.indirect.scatter.add.f32 [tilespmem:s16], [sflag:$0x2], $0x1, s30, s18, $0xb8;
	[tilespmem:$0x10580] =	vst v63  }
0x43: {  	s31 =	simm.s32 $0x380  }
0x44: {  	[spmem:s1] =	stream.indirect.scatter.add.f32 [tilespmem:s16], [sflag:$0x1], $0x1, s31, s18, $0xb8;
	[tilespmem:$0x10580] =	vst v63  }
0x45: {  	s25 =	simm.s32 $0x8380  }
0x46: {  	[spmem:s3] =	stream.indirect.scatter.add.f32 [tilespmem:s16], [sflag:$0x2], $0x1, s25, s18, $0xb8;
	[tilespmem:$0x10580] =	vst v63  }
0x47: {  	s26 =	simm.s32 $0x400  }
0x48: {  	[spmem:s1] =	stream.indirect.scatter.add.f32 [tilespmem:s16], [sflag:$0x1], $0x1, s26, s18, $0xb8;
	[tilespmem:$0x10580] =	vst v63  }
0x49: {  	s29 =	simm.s32 $0x8400  }
0x4a: {  	[spmem:s3] =	stream.indirect.scatter.add.f32 [tilespmem:s16], [sflag:$0x2], $0x1, s29, s18, $0xb8;
	[tilespmem:$0x10580] =	vst v63  }
0x4b: {  	s30 =	simm.s32 $0x480  }
0x4c: {  	[spmem:s1] =	stream.indirect.scatter.add.f32 [tilespmem:s16], [sflag:$0x1], $0x1, s30, s18, $0xb8;
	[tilespmem:$0x10580] =	vst v63  }
0x4d: {  	s31 =	simm.s32 $0x8480  }
0x4e: {  	[spmem:s3] =	stream.indirect.scatter.add.f32 [tilespmem:s16], [sflag:$0x2], $0x1, s31, s18, $0xb8;
	[tilespmem:$0x10580] =	vst v63  }
0x4f: {  	_ =	swait.ge [sflag:s19], $0x28  }
0x50: {  	[sflag:s19] =	ssyncset.done $0x0  }
0x51: {  	[sflag:s19] =	ssyncadd.s32 $0xFFFFFFD8  }
0x52: {  	_ =	swait.ge [sflag:s20], $0x28  }
0x53: {  	[sflag:s20] =	ssyncset.done $0x0  }
0x54: {  	[sflag:s20] =	ssyncadd.s32 $0xFFFFFFD8  }
0x55: {  	_ =	swait.ge [sflag:s19], $0x28  }
0x56: {  	[sflag:s19] =	ssyncset.done $0x0  }
0x57: {  	[sflag:s19] =	ssyncadd.s32 $0xFFFFFFD8  }
0x58: {  	_ =	swait.ge [sflag:s20], $0x28  }
0x59: {  	[sflag:s20] =	ssyncset.done $0x0  }
0x5a: {  	[sflag:s20] =	ssyncadd.s32 $0xFFFFFFD8  }
0x5b: {  	_ =	swait.ge [sflag:s19], $0x28  }
0x5c: {  	[sflag:s19] =	ssyncset.done $0x0  }
0x5d: {  	[sflag:s19] =	ssyncadd.s32 $0xFFFFFFD8  }
0x5e: {  	_ =	swait.ge [sflag:s20], $0x28  }
0x5f: {  	[sflag:s20] =	ssyncset.done $0x0  }
0x60: {  	[sflag:s20] =	ssyncadd.s32 $0xFFFFFFD8  }
0x61: {  	_ =	swait.ge [sflag:s19], $0x28  }
0x62: {  	[sflag:s19] =	ssyncset.done $0x0  }
0x63: {  	[sflag:s19] =	ssyncadd.s32 $0xFFFFFFD8  }
0x64: {  	_ =	swait.ge [sflag:s20], $0x28  }
0x65: {  	[sflag:s20] =	ssyncset.done $0x0  }
0x66: {  	[sflag:s20] =	ssyncadd.s32 $0xFFFFFFD8  }
0x67: {  	_ =	swait.ge [sflag:s19], $0x28  }
0x68: {  	[sflag:s19] =	ssyncset.done $0x0  }
0x69: {  	[sflag:s19] =	ssyncadd.s32 $0xFFFFFFD8  }
0x6a: {  	_ =	swait.ge [sflag:s20], $0x28  }
0x6b: {  	[sflag:s20] =	ssyncset.done $0x0  }
0x6c: {  	[sflag:s20] =	ssyncadd.s32 $0xFFFFFFD8  }
0x6d: {  	_ =	swait.ge [sflag:s19], $0x28  }
0x6e: {  	[sflag:s19] =	ssyncset.done $0x0  }
0x6f: {  	[sflag:s19] =	ssyncadd.s32 $0xFFFFFFD8  }
0x70: {  	_ =	swait.ge [sflag:s20], $0x28  }
0x71: {  	[sflag:s20] =	ssyncset.done $0x0  }
0x72: {  	[sflag:s20] =	ssyncadd.s32 $0xFFFFFFD8  }
0x73: {  	_ =	swait.ge [sflag:s19], $0x28  }
0x74: {  	[sflag:s19] =	ssyncset.done $0x0  }
0x75: {  	[sflag:s19] =	ssyncadd.s32 $0xFFFFFFD8  }
0x76: {  	_ =	swait.ge [sflag:s20], $0x28  }
0x77: {  	[sflag:s20] =	ssyncset.done $0x0  }
0x78: {  	[sflag:s20] =	ssyncadd.s32 $0xFFFFFFD8  }
0x79: {  	_ =	swait.ge [sflag:s19], $0x28  }
0x7a: {  	[sflag:s19] =	ssyncset.done $0x0  }
0x7b: {  	[sflag:s19] =	ssyncadd.s32 $0xFFFFFFD8  }
0x7c: {  	_ =	swait.ge [sflag:s20], $0x28  }
0x7d: {  	[sflag:s20] =	ssyncset.done $0x0  }
0x7e: {  	[sflag:s20] =	ssyncadd.s32 $0xFFFFFFD8  }
0x7f: {  	_ =	swait.ge [sflag:s19], $0x28  }
0x80: {  	[sflag:s19] =	ssyncset.done $0x0  }
0x81: {  	[sflag:s19] =	ssyncadd.s32 $0xFFFFFFD8  }
0x82: {  	_ =	swait.ge [sflag:s20], $0x28  }
0x83: {  	[sflag:s20] =	ssyncset.done $0x0  }
0x84: {  	[sflag:s20] =	ssyncadd.s32 $0xFFFFFFD8  }
0x85: {  	_ =	swait.ge [sflag:s19], $0x28  }
0x86: {  	[sflag:s19] =	ssyncset.done $0x0  }
0x87: {  	[sflag:s19] =	ssyncadd.s32 $0xFFFFFFD8  }
0x88: {  	_ =	swait.ge [sflag:s20], $0x28  }
0x89: {  	s28 =	simm.s32 $0x2800;
	s24 =	simm.s32 $0x1400;
	[sflag:s20] =	ssyncset.done $0x0  }
.LBB2_2:
0x8a: {  	s26 =	sshra.s32 s24, $0x2  }
0x8b: {  	[sflag:s20] =	ssyncadd.s32 $0xFFFFFFD8;
	s24 =	smov.u32 s28;
	s25 =	sadd.s32 $0x1400, s28  }
0x8c: {  	[spmem:s1] =	stream.indirect.scatter.add.f32 [tilespmem:s16], [sflag:$0x1], $0x1, s26, s18, $0xb8;
	[tilespmem:$0x10580] =	vst v63  }
0x8d: {  	p0 =	sne.s32 s28, $0x1E000;
	s28 =	sadd.s32 $0x8000, s26  }
0x8e: {  	[spmem:s3] =	stream.indirect.scatter.add.f32 [tilespmem:s16], [sflag:$0x2], $0x1, s28, s18, $0xb8;
	[tilespmem:$0x10580] =	vst v63  }
0x8f: {  	s28 =	sadd.s32 $0x80, s26  }
0x90: {  	[spmem:s1] =	stream.indirect.scatter.add.f32 [tilespmem:s16], [sflag:$0x1], $0x1, s28, s18, $0xb8;
	[tilespmem:$0x10580] =	vst v63  }
0x91: {  	s28 =	sadd.s32 $0x8080, s26  }
0x92: {  	[spmem:s3] =	stream.indirect.scatter.add.f32 [tilespmem:s16], [sflag:$0x2], $0x1, s28, s18, $0xb8;
	[tilespmem:$0x10580] =	vst v63  }
0x93: {  	s28 =	sadd.s32 $0x100, s26  }
0x94: {  	[spmem:s1] =	stream.indirect.scatter.add.f32 [tilespmem:s16], [sflag:$0x1], $0x1, s28, s18, $0xb8;
	[tilespmem:$0x10580] =	vst v63  }
0x95: {  	s28 =	sadd.s32 $0x8100, s26  }
0x96: {  	[spmem:s3] =	stream.indirect.scatter.add.f32 [tilespmem:s16], [sflag:$0x2], $0x1, s28, s18, $0xb8;
	[tilespmem:$0x10580] =	vst v63  }
0x97: {  	s28 =	sadd.s32 $0x180, s26  }
0x98: {  	[spmem:s1] =	stream.indirect.scatter.add.f32 [tilespmem:s16], [sflag:$0x1], $0x1, s28, s18, $0xb8;
	[tilespmem:$0x10580] =	vst v63  }
0x99: {  	s28 =	sadd.s32 $0x8180, s26  }
0x9a: {  	[spmem:s3] =	stream.indirect.scatter.add.f32 [tilespmem:s16], [sflag:$0x2], $0x1, s28, s18, $0xb8;
	[tilespmem:$0x10580] =	vst v63  }
0x9b: {  	s28 =	sadd.s32 $0x200, s26  }
0x9c: {  	[spmem:s1] =	stream.indirect.scatter.add.f32 [tilespmem:s16], [sflag:$0x1], $0x1, s28, s18, $0xb8;
	[tilespmem:$0x10580] =	vst v63  }
0x9d: {  	s28 =	sadd.s32 $0x8200, s26  }
0x9e: {  	[spmem:s3] =	stream.indirect.scatter.add.f32 [tilespmem:s16], [sflag:$0x2], $0x1, s28, s18, $0xb8;
	[tilespmem:$0x10580] =	vst v63  }
0x9f: {  	s28 =	sadd.s32 $0x280, s26  }
0xa0: {  	[spmem:s1] =	stream.indirect.scatter.add.f32 [tilespmem:s16], [sflag:$0x1], $0x1, s28, s18, $0xb8;
	[tilespmem:$0x10580] =	vst v63  }
0xa1: {  	s28 =	sadd.s32 $0x8280, s26  }
0xa2: {  	[spmem:s3] =	stream.indirect.scatter.add.f32 [tilespmem:s16], [sflag:$0x2], $0x1, s28, s18, $0xb8;
	[tilespmem:$0x10580] =	vst v63  }
0xa3: {  	s28 =	sadd.s32 $0x300, s26  }
0xa4: {  	[spmem:s1] =	stream.indirect.scatter.add.f32 [tilespmem:s16], [sflag:$0x1], $0x1, s28, s18, $0xb8;
	[tilespmem:$0x10580] =	vst v63  }
0xa5: {  	s28 =	sadd.s32 $0x8300, s26  }
0xa6: {  	[spmem:s3] =	stream.indirect.scatter.add.f32 [tilespmem:s16], [sflag:$0x2], $0x1, s28, s18, $0xb8;
	[tilespmem:$0x10580] =	vst v63  }
0xa7: {  	s28 =	sadd.s32 $0x380, s26  }
0xa8: {  	[spmem:s1] =	stream.indirect.scatter.add.f32 [tilespmem:s16], [sflag:$0x1], $0x1, s28, s18, $0xb8;
	[tilespmem:$0x10580] =	vst v63  }
0xa9: {  	s28 =	sadd.s32 $0x8380, s26  }
0xaa: {  	[spmem:s3] =	stream.indirect.scatter.add.f32 [tilespmem:s16], [sflag:$0x2], $0x1, s28, s18, $0xb8;
	[tilespmem:$0x10580] =	vst v63  }
0xab: {  	s28 =	sadd.s32 $0x400, s26  }
0xac: {  	[spmem:s1] =	stream.indirect.scatter.add.f32 [tilespmem:s16], [sflag:$0x1], $0x1, s28, s18, $0xb8;
	[tilespmem:$0x10580] =	vst v63  }
0xad: {  	s28 =	sadd.s32 $0x8400, s26  }
0xae: {  	[spmem:s3] =	stream.indirect.scatter.add.f32 [tilespmem:s16], [sflag:$0x2], $0x1, s28, s18, $0xb8;
	[tilespmem:$0x10580] =	vst v63  }
0xaf: {  	s28 =	sadd.s32 $0x480, s26  }
0xb0: {  	[spmem:s1] =	stream.indirect.scatter.add.f32 [tilespmem:s16], [sflag:$0x1], $0x1, s28, s18, $0xb8;
	[tilespmem:$0x10580] =	vst v63  }
0xb1: {  	s26 =	sadd.s32 $0x8480, s26  }
0xb2: {  	[spmem:s3] =	stream.indirect.scatter.add.f32 [tilespmem:s16], [sflag:$0x2], $0x1, s26, s18, $0xb8;
	[tilespmem:$0x10580] =	vst v63  }
0xb3: {  	_ =	swait.ge [sflag:s19], $0x28  }
0xb4: {  	[sflag:s19] =	ssyncset.done $0x0  }
0xb5: {  	[sflag:s19] =	ssyncadd.s32 $0xFFFFFFD8  }
0xb6: {  	_ =	swait.ge [sflag:s20], $0x28  }
0xb7: {  	[sflag:s20] =	ssyncset.done $0x0  }
0xb8: {  	[sflag:s20] =	ssyncadd.s32 $0xFFFFFFD8  }
0xb9: {  	_ =	swait.ge [sflag:s19], $0x28  }
0xba: {  	[sflag:s19] =	ssyncset.done $0x0  }
0xbb: {  	[sflag:s19] =	ssyncadd.s32 $0xFFFFFFD8  }
0xbc: {  	_ =	swait.ge [sflag:s20], $0x28  }
0xbd: {  	[sflag:s20] =	ssyncset.done $0x0  }
0xbe: {  	[sflag:s20] =	ssyncadd.s32 $0xFFFFFFD8  }
0xbf: {  	_ =	swait.ge [sflag:s19], $0x28  }
0xc0: {  	[sflag:s19] =	ssyncset.done $0x0  }
0xc1: {  	[sflag:s19] =	ssyncadd.s32 $0xFFFFFFD8  }
0xc2: {  	_ =	swait.ge [sflag:s20], $0x28  }
0xc3: {  	[sflag:s20] =	ssyncset.done $0x0  }
0xc4: {  	[sflag:s20] =	ssyncadd.s32 $0xFFFFFFD8  }
0xc5: {  	_ =	swait.ge [sflag:s19], $0x28  }
0xc6: {  	[sflag:s19] =	ssyncset.done $0x0  }
0xc7: {  	[sflag:s19] =	ssyncadd.s32 $0xFFFFFFD8  }
0xc8: {  	_ =	swait.ge [sflag:s20], $0x28  }
0xc9: {  	[sflag:s20] =	ssyncset.done $0x0  }
0xca: {  	[sflag:s20] =	ssyncadd.s32 $0xFFFFFFD8  }
0xcb: {  	_ =	swait.ge [sflag:s19], $0x28  }
0xcc: {  	[sflag:s19] =	ssyncset.done $0x0  }
0xcd: {  	[sflag:s19] =	ssyncadd.s32 $0xFFFFFFD8  }
0xce: {  	_ =	swait.ge [sflag:s20], $0x28  }
0xcf: {  	[sflag:s20] =	ssyncset.done $0x0  }
0xd0: {  	[sflag:s20] =	ssyncadd.s32 $0xFFFFFFD8  }
0xd1: {  	_ =	swait.ge [sflag:s19], $0x28  }
0xd2: {  	[sflag:s19] =	ssyncset.done $0x0  }
0xd3: {  	[sflag:s19] =	ssyncadd.s32 $0xFFFFFFD8  }
0xd4: {  	_ =	swait.ge [sflag:s20], $0x28  }
0xd5: {  	[sflag:s20] =	ssyncset.done $0x0  }
0xd6: {  	[sflag:s20] =	ssyncadd.s32 $0xFFFFFFD8  }
0xd7: {  	_ =	swait.ge [sflag:s19], $0x28  }
0xd8: {  	[sflag:s19] =	ssyncset.done $0x0  }
0xd9: {  	[sflag:s19] =	ssyncadd.s32 $0xFFFFFFD8  }
0xda: {  	_ =	swait.ge [sflag:s20], $0x28  }
0xdb: {  	[sflag:s20] =	ssyncset.done $0x0  }
0xdc: {  	[sflag:s20] =	ssyncadd.s32 $0xFFFFFFD8  }
0xdd: {  	_ =	swait.ge [sflag:s19], $0x28  }
0xde: {  	[sflag:s19] =	ssyncset.done $0x0  }
0xdf: {  	[sflag:s19] =	ssyncadd.s32 $0xFFFFFFD8  }
0xe0: {  	_ =	swait.ge [sflag:s20], $0x28  }
0xe1: {  	[sflag:s20] =	ssyncset.done $0x0  }
0xe2: {  	[sflag:s20] =	ssyncadd.s32 $0xFFFFFFD8  }
0xe3: {  	_ =	swait.ge [sflag:s19], $0x28  }
0xe4: {  	[sflag:s19] =	ssyncset.done $0x0  }
0xe5: {  	[sflag:s19] =	ssyncadd.s32 $0xFFFFFFD8  }
0xe6: {  	_ =	swait.ge [sflag:s20], $0x28  }
0xe7: {  	[sflag:s20] =	ssyncset.done $0x0  }
0xe8: {  	[sflag:s20] =	ssyncadd.s32 $0xFFFFFFD8  }
.Ltmp0:
0xe9: {  	_ =	swait.ge [sflag:s19], $0x28;
	(pc) =	sbr.rel @p0 .LBB2_2-.Ltmp0, $4  }
0xea: {  	[sflag:s19] =	ssyncset.done $0x0  }
0xeb: {  	[sflag:s19] =	ssyncadd.s32 $0xFFFFFFD8  }
0xec: {  	_ =	swait.ge [sflag:s20], $0x28  }
0xed: {  	s28 =	smov.u32 s25;
	[sflag:s20] =	ssyncset.done $0x0  }
0xee: {  	s24 =	sshra.s32 s24, $0x2;
	[sflag:s20] =	ssyncadd.s32 $0xFFFFFFD8  }
0xef: {  	[spmem:s1] =	stream.indirect.scatter.add.f32 [tilespmem:s16], [sflag:$0x1], $0x1, s24, s18, $0xb8;
	[tilespmem:$0x10580] =	vst v63  }
0xf0: {  	s25 =	sadd.s32 $0x8000, s24  }
0xf1: {  	[spmem:s3] =	stream.indirect.scatter.add.f32 [tilespmem:s16], [sflag:$0x2], $0x1, s25, s18, $0xb8;
	[tilespmem:$0x10580] =	vst v63  }
0xf2: {  	s30 =	sadd.s32 $0x80, s24  }
0xf3: {  	[spmem:s1] =	stream.indirect.scatter.add.f32 [tilespmem:s16], [sflag:$0x1], $0x1, s30, s18, $0xb8;
	[tilespmem:$0x10580] =	vst v63  }
0xf4: {  	s31 =	sadd.s32 $0x8080, s24  }
0xf5: {  	[spmem:s3] =	stream.indirect.scatter.add.f32 [tilespmem:s16], [sflag:$0x2], $0x1, s31, s18, $0xb8;
	[tilespmem:$0x10580] =	vst v63  }
0xf6: {  	s26 =	sadd.s32 $0x100, s24  }
0xf7: {  	[spmem:s1] =	stream.indirect.scatter.add.f32 [tilespmem:s16], [sflag:$0x1], $0x1, s26, s18, $0xb8;
	[tilespmem:$0x10580] =	vst v63  }
0xf8: {  	s28 =	sadd.s32 $0x8100, s24  }
0xf9: {  	[spmem:s3] =	stream.indirect.scatter.add.f32 [tilespmem:s16], [sflag:$0x2], $0x1, s28, s18, $0xb8;
	[tilespmem:$0x10580] =	vst v63  }
0xfa: {  	s29 =	sadd.s32 $0x180, s24  }
0xfb: {  	[spmem:s1] =	stream.indirect.scatter.add.f32 [tilespmem:s16], [sflag:$0x1], $0x1, s29, s18, $0xb8;
	[tilespmem:$0x10580] =	vst v63  }
0xfc: {  	s30 =	sadd.s32 $0x8180, s24  }
0xfd: {  	[spmem:s3] =	stream.indirect.scatter.add.f32 [tilespmem:s16], [sflag:$0x2], $0x1, s30, s18, $0xb8;
	[tilespmem:$0x10580] =	vst v63  }
0xfe: {  	s31 =	sadd.s32 $0x200, s24  }
0xff: {  	[spmem:s1] =	stream.indirect.scatter.add.f32 [tilespmem:s16], [sflag:$0x1], $0x1, s31, s18, $0xb8;
	[tilespmem:$0x10580] =	vst v63  }
0x100: {  	s26 =	sadd.s32 $0x8200, s24  }
0x101: {  	[spmem:s3] =	stream.indirect.scatter.add.f32 [tilespmem:s16], [sflag:$0x2], $0x1, s26, s18, $0xb8;
	[tilespmem:$0x10580] =	vst v63  }
0x102: {  	s28 =	sadd.s32 $0x280, s24  }
0x103: {  	[spmem:s1] =	stream.indirect.scatter.add.f32 [tilespmem:s16], [sflag:$0x1], $0x1, s28, s18, $0xb8;
	[tilespmem:$0x10580] =	vst v63  }
0x104: {  	s29 =	sadd.s32 $0x8280, s24  }
0x105: {  	[spmem:s3] =	stream.indirect.scatter.add.f32 [tilespmem:s16], [sflag:$0x2], $0x1, s29, s18, $0xb8;
	[tilespmem:$0x10580] =	vst v63  }
0x106: {  	s30 =	sadd.s32 $0x300, s24  }
0x107: {  	[spmem:s1] =	stream.indirect.scatter.add.f32 [tilespmem:s16], [sflag:$0x1], $0x1, s30, s18, $0xb8;
	[tilespmem:$0x10580] =	vst v63  }
0x108: {  	s31 =	sadd.s32 $0x8300, s24  }
0x109: {  	[spmem:s3] =	stream.indirect.scatter.add.f32 [tilespmem:s16], [sflag:$0x2], $0x1, s31, s18, $0xb8;
	[tilespmem:$0x10580] =	vst v63  }
0x10a: {  	s26 =	sadd.s32 $0x380, s24  }
0x10b: {  	[spmem:s1] =	stream.indirect.scatter.add.f32 [tilespmem:s16], [sflag:$0x1], $0x1, s26, s18, $0xb8;
	[tilespmem:$0x10580] =	vst v63  }
0x10c: {  	s28 =	sadd.s32 $0x8380, s24  }
0x10d: {  	[spmem:s3] =	stream.indirect.scatter.add.f32 [tilespmem:s16], [sflag:$0x2], $0x1, s28, s18, $0xb8;
	[tilespmem:$0x10580] =	vst v63  }
0x10e: {  	s29 =	sadd.s32 $0x400, s24  }
0x10f: {  	[spmem:s1] =	stream.indirect.scatter.add.f32 [tilespmem:s16], [sflag:$0x1], $0x1, s29, s18, $0xb8;
	[tilespmem:$0x10580] =	vst v63  }
0x110: {  	s30 =	sadd.s32 $0x8400, s24  }
0x111: {  	[spmem:s3] =	stream.indirect.scatter.add.f32 [tilespmem:s16], [sflag:$0x2], $0x1, s30, s18, $0xb8;
	[tilespmem:$0x10580] =	vst v63  }
0x112: {  	s31 =	sadd.s32 $0x480, s24  }
0x113: {  	[spmem:s1] =	stream.indirect.scatter.add.f32 [tilespmem:s16], [sflag:$0x1], $0x1, s31, s18, $0xb8;
	[tilespmem:$0x10580] =	vst v63  }
0x114: {  	s24 =	sadd.s32 $0x8480, s24  }
0x115: {  	[spmem:s3] =	stream.indirect.scatter.add.f32 [tilespmem:s16], [sflag:$0x2], $0x1, s24, s18, $0xb8;
	[tilespmem:$0x10580] =	vst v63  }
0x116: {  	_ =	swait.ge [sflag:s19], $0x28  }
0x117: {  	[sflag:s19] =	ssyncset.done $0x0  }
0x118: {  	[sflag:s19] =	ssyncadd.s32 $0xFFFFFFD8  }
0x119: {  	_ =	swait.ge [sflag:s20], $0x28  }
0x11a: {  	[sflag:s20] =	ssyncset.done $0x0  }
0x11b: {  	[sflag:s20] =	ssyncadd.s32 $0xFFFFFFD8  }
0x11c: {  	_ =	swait.ge [sflag:s19], $0x28  }
0x11d: {  	[sflag:s19] =	ssyncset.done $0x0  }
0x11e: {  	[sflag:s19] =	ssyncadd.s32 $0xFFFFFFD8  }
0x11f: {  	_ =	swait.ge [sflag:s20], $0x28  }
0x120: {  	[sflag:s20] =	ssyncset.done $0x0  }
0x121: {  	[sflag:s20] =	ssyncadd.s32 $0xFFFFFFD8  }
0x122: {  	_ =	swait.ge [sflag:s19], $0x28  }
0x123: {  	[sflag:s19] =	ssyncset.done $0x0  }
0x124: {  	[sflag:s19] =	ssyncadd.s32 $0xFFFFFFD8  }
0x125: {  	_ =	swait.ge [sflag:s20], $0x28  }
0x126: {  	[sflag:s20] =	ssyncset.done $0x0  }
0x127: {  	[sflag:s20] =	ssyncadd.s32 $0xFFFFFFD8  }
0x128: {  	_ =	swait.ge [sflag:s19], $0x28  }
0x129: {  	[sflag:s19] =	ssyncset.done $0x0  }
0x12a: {  	[sflag:s19] =	ssyncadd.s32 $0xFFFFFFD8  }
0x12b: {  	_ =	swait.ge [sflag:s20], $0x28  }
0x12c: {  	[sflag:s20] =	ssyncset.done $0x0  }
0x12d: {  	[sflag:s20] =	ssyncadd.s32 $0xFFFFFFD8  }
0x12e: {  	_ =	swait.ge [sflag:s19], $0x28  }
0x12f: {  	[sflag:s19] =	ssyncset.done $0x0  }
0x130: {  	[sflag:s19] =	ssyncadd.s32 $0xFFFFFFD8  }
0x131: {  	_ =	swait.ge [sflag:s20], $0x28  }
0x132: {  	[sflag:s20] =	ssyncset.done $0x0  }
0x133: {  	[sflag:s20] =	ssyncadd.s32 $0xFFFFFFD8  }
0x134: {  	_ =	swait.ge [sflag:s19], $0x28  }
0x135: {  	[sflag:s19] =	ssyncset.done $0x0  }
0x136: {  	[sflag:s19] =	ssyncadd.s32 $0xFFFFFFD8  }
0x137: {  	_ =	swait.ge [sflag:s20], $0x28  }
0x138: {  	[sflag:s20] =	ssyncset.done $0x0  }
0x139: {  	[sflag:s20] =	ssyncadd.s32 $0xFFFFFFD8  }
0x13a: {  	_ =	swait.ge [sflag:s19], $0x28  }
0x13b: {  	[sflag:s19] =	ssyncset.done $0x0  }
0x13c: {  	[sflag:s19] =	ssyncadd.s32 $0xFFFFFFD8  }
0x13d: {  	_ =	swait.ge [sflag:s20], $0x28  }
0x13e: {  	[sflag:s20] =	ssyncset.done $0x0  }
0x13f: {  	[sflag:s20] =	ssyncadd.s32 $0xFFFFFFD8  }
0x140: {  	_ =	swait.ge [sflag:s19], $0x28  }
0x141: {  	[sflag:s19] =	ssyncset.done $0x0  }
0x142: {  	[sflag:s19] =	ssyncadd.s32 $0xFFFFFFD8  }
0x143: {  	_ =	swait.ge [sflag:s20], $0x28  }
0x144: {  	[sflag:s20] =	ssyncset.done $0x0  }
0x145: {  	[sflag:s20] =	ssyncadd.s32 $0xFFFFFFD8  }
0x146: {  	_ =	swait.ge [sflag:s19], $0x28  }
0x147: {  	[sflag:s19] =	ssyncset.done $0x0  }
0x148: {  	[sflag:s19] =	ssyncadd.s32 $0xFFFFFFD8  }
0x149: {  	_ =	swait.ge [sflag:s20], $0x28  }
0x14a: {  	[sflag:s20] =	ssyncset.done $0x0  }
0x14b: {  	[sflag:s20] =	ssyncadd.s32 $0xFFFFFFD8  }
0x14c: {  	_ =	swait.ge [sflag:s19], $0x28  }
0x14d: {  	[sflag:s19] =	ssyncset.done $0x0  }
0x14e: {  	[sflag:s19] =	ssyncadd.s32 $0xFFFFFFD8  }
0x14f: {  	_ =	swait.ge [sflag:s20], $0x28  }
0x150: {  	[sflag:s20] =	ssyncset.done $0x0  }
0x151: {  	[sflag:s20] =	ssyncadd.s32 $0xFFFFFFD8  }
0x152: {  	[bflag:$0x0] =	sbarrier.arrive $0xFFFF  }
0x153: {  	[hbm:s10@s21], [sflag:s7] =	dma.strided [spmem:s13@s22], $0x50, s19, $0x10   }
0x154: {  	s23 =	sadd.s32 $0x1, s23;
	_ =	swait.ge [sflag:s14], $0x50  }
0x155: {  	p0 =	sne.s32 s23, s12;
	[sflag:s14] =	ssyncset.done $0x0  }
.Ltmp1:
0x156: {  	[sflag:s14] =	ssyncadd.s32 $0xFFFFFFB0;
	(pc) =	sbr.rel @p0 .LBB2_1-.Ltmp1, $4  }
0x157: {  	[hbm:s11@s21], [sflag:s7] =	dma.strided [spmem:s15@s22], $0x50, s19, $0x10   }
0x158: {  	_ =	swait.ge [sflag:s14], $0x50  }
0x159: {  	[sflag:s14] =	ssyncset.done $0x0  }
0x15a: {  	[sflag:s14] =	ssyncadd.s32 $0xFFFFFFB0  }
0x15b: {  	_ =	sfence.sel $0x180000  }
0x15c: {  	[bflag:$0x0] =	sbarrier.arrive $0xFFFF  }
0x15d: {  	p0 =	sne.s32 s2, $0x0;
	_ =	strace $0x90000047  }
0x15e: {  	s0 =	sadd.s32 @!p0 $0x100000, s0;
	[bflag:$0x2] =	sbarrier.arrive $0xFFFF  }
0x15f: {  	[sflag:s0] =	ssyncadd.tile.s32 @!p0 $0x1;
	_ =	shalt  }
.Lfunc_end2:
_tile_overlayer_lowered:
.L_overlay_start_2:
0x160: {  	(tag) =	ssettag $0x2  }
0x161: {  	s0 =	rddreg [dreg:$0x0];
	s2 =	stileid.u32  }
0x162: {  	s1 =	rddreg [dreg:$0x1];
	p0 =	sne.s32 s2, $0x0  }
0x163: {  	s3 =	rddreg [dreg:$0x2];
	[bflag:$0x3] =	sbarrier.arrive $0xFFFF;
	s2 =	simm.s32 @!p0 $0x1C03  }
0x164: {  	[timem:s3], [sflag:s2] =	dma.local @!p0 [hbm:s0], s1  }
0x165: {  	s0 =	simm.s32 @!p0 $0x3  }
0x166: {  	_ =	swait.ge @!p0 [sflag:s0], s1  }
0x167: {  	s1 =	ssub.s32 @!p0 $0x0, s1;
	[sflag:s0] =	ssyncset.done @!p0 $0x0  }
0x168: {  	[sflag:s0] =	ssyncadd.s32 @!p0 s1  }
0x169: {  	[bflag:$0x3] =	sbarrier.arrive $0xFFFF  }
0x16a: {  	_ =	shalt  }

</sc_bundles>
